<compile_context>
chip_gen: v7x
topology: tpu7x:2x2x1
jax: 0.10.2.dev20260603
libtpu: 0.0.44.dev20260713+nightly
codegen_flags: <defaults>
</compile_context>

<pallas_src>
import functools

import jax
import jax.numpy as jnp
from jax import lax
from jax.experimental import pallas as pl
from jax.experimental.pallas import tpu as pltpu
from jax.experimental.pallas import tpu_sc as plsc

_NC = 2
_NS = 16
_NW = _NC * _NS
_C = 120
_RB = 3
_IB = 6
_FAST_CORE = 0
_FAST_SHARE = 0.70


def _cdiv(a, b):
    return (a + b - 1) // b


def _split(e):
    tch = _cdiv(e, _C)
    kf = _cdiv(int(round(tch * _FAST_SHARE)), _NS)
    ks = _cdiv(max(tch - kf * _NS, 0), _NS)
    return (kf, ks) if _FAST_CORE == 0 else (ks, kf)


@functools.partial(jax.jit, static_argnames=("n", "k0", "k1", "acc_rows",
                                             "rpt"))
def _sc_scatter(x, idx_r, *, n, k0, k1, acc_rows, rpt):
    d = x.shape[1]
    mesh = plsc.VectorSubcoreMesh(core_axis_name="c", subcore_axis_name="s")

    @functools.partial(
        pl.kernel,
        out_type=jax.ShapeDtypeStruct((_NC, acc_rows, d), jnp.float32),
        mesh=mesh,
        scratch_types=[
            [pltpu.VMEM((2, _C), jnp.int32)] * _IB,
            [pltpu.VMEM((_C, d), jnp.float32)] * _RB,
            pltpu.VMEM_SHARED((acc_rows, d), jnp.float32),
            [pltpu.SemaphoreType.DMA] * _IB,
            [pltpu.SemaphoreType.DMA] * _RB,
            [pltpu.SemaphoreType.DMA] * _RB,
        ],
    )
    def scatter_kernel(x_hbm, idx_hbm, out_hbm,
                       ibs, rows, acc_sh, sem_i, sem_g, sem_s):
        c = lax.axis_index("c")
        s = lax.axis_index("s")

        def zero_row(i, carry):
            zv = jnp.zeros((16,), jnp.float32)
            for j in range(d // 16):
                rows[0][i, pl.ds(j * 16, 16)] = zv
            return carry

        lax.fori_loop(0, _C, zero_row, 0)
        full, rem = divmod(rpt, _C)
        for r in range(full):
            pltpu.sync_copy(rows[0], acc_sh.at[pl.ds(s * rpt + r * _C, _C)])
        if rem:
            pltpu.sync_copy(rows[0].at[pl.ds(0, rem)],
                            acc_sh.at[pl.ds(s * rpt + full * _C, rem)])

        plsc.subcore_barrier()

        def pipeline(k, base):
            if k == 0:
                return
            for b in range(min(4, k)):
                pltpu.async_copy(idx_hbm.at[base + b], ibs[b], sem_i[b])
            pltpu.make_async_copy(idx_hbm.at[base], ibs[0], sem_i[0]).wait()
            pltpu.async_copy(x_hbm.at[ibs[0].at[0]], rows[0], sem_g[0])

            def substep(j, m):
                p = m % _RB
                pn = (m + 1) % _RB
                m1 = (m + 1) % _IB
                m4 = (m + 4) % _IB

                @pl.when(j >= 2)
                def _():
                    pltpu.make_async_copy(
                        rows[pn], acc_sh.at[ibs[m4].at[1]], sem_s[pn]).wait()

                @pl.when(j + 4 < k)
                def _():
                    pltpu.async_copy(idx_hbm.at[base + j + 4], ibs[m4],
                                     sem_i[m4])

                @pl.when(j + 1 < k)
                def _():
                    pltpu.make_async_copy(
                        idx_hbm.at[base + j + 1], ibs[m1], sem_i[m1]).wait()
                    pltpu.async_copy(x_hbm.at[ibs[m1].at[0]], rows[pn],
                                     sem_g[pn])

                pltpu.make_async_copy(
                    x_hbm.at[ibs[m].at[0]], rows[p], sem_g[p]).wait()
                pltpu.async_copy(rows[p], acc_sh.at[ibs[m].at[1]], sem_s[p],
                                 add=True)

            def step(j, carry):
                for m in range(_IB):
                    @pl.when(j % _IB == m)
                    def _(m=m):
                        substep(j, m)
                return carry

            lax.fori_loop(0, k, step, 0)

            for j2 in range(max(0, k - 2), k):
                p = j2 % _RB
                m = j2 % _IB
                pltpu.make_async_copy(
                    rows[p], acc_sh.at[ibs[m].at[1]], sem_s[p]).wait()

        @pl.when(c == 0)
        def _():
            pipeline(k0, s * k0)

        @pl.when(c == 1)
        def _():
            pipeline(k1, _NS * k0 + s * k1)

        plsc.subcore_barrier()

        pltpu.sync_copy(acc_sh.at[pl.ds(s * rpt, rpt)],
                        out_hbm.at[c, pl.ds(s * rpt, rpt)])

    return scatter_kernel(x, idx_r)


def _add_body(a_ref, b_ref, o_ref):
    o_ref[...] = a_ref[...] + b_ref[...]


@jax.jit
def _tc_add(a, b):
    n, d = a.shape
    blk = 1000
    return pl.pallas_call(
        _add_body,
        out_shape=jax.ShapeDtypeStruct((n, d), jnp.float32),
        grid=(_cdiv(n, blk),),
        in_specs=[
            pl.BlockSpec((blk, d), lambda i: (i, 0)),
            pl.BlockSpec((blk, d), lambda i: (i, 0)),
        ],
        out_specs=pl.BlockSpec((blk, d), lambda i: (i, 0)),
    )(a, b)


def kernel(x, neighborhood):
    n, d = x.shape
    e = neighborhood.shape[1]

    k0, k1 = _split(e)
    tch = _NS * (k0 + k1)
    cap = tch * _C
    pad = cap - e

    rpt = _cdiv(_cdiv(n + 1, _NS), 8) * 8
    acc_rows = _NS * rpt

    src = neighborhood[0]
    dst = neighborhood[1]
    if pad:
        src = jnp.concatenate([src, jnp.zeros((pad,), jnp.int32)])
        dst = jnp.concatenate([dst, jnp.full((pad,), n, jnp.int32)])
    idx_r = jnp.stack([src.reshape(tch, _C), dst.reshape(tch, _C)], axis=1)

    partials = _sc_scatter(x, idx_r, n=n, k0=k0, k1=k1, acc_rows=acc_rows,
                           rpt=rpt)
    return _tc_add(partials[0, :n], partials[1, :n])

# --- scband reference (transcript-rebuilt; emitter-appended) ---
"""Pipeline reference for scband-message-passing-2516850835706 (READ-ONLY COPY).

The authoritative reference and input builder live on the scoring server;
editing this copy changes nothing except your own understanding.
"""

import jax, jax.numpy as jnp
import numpy as np

N_NODES = 10000
N_EDGES = 320000
D_FEAT = 128


def setup_inputs(seed: int = 0) -> dict:
    key = jax.random.key(seed)
    k1, k2 = jax.random.split(key)
    x = jax.random.normal(k1, (N_NODES, D_FEAT), dtype=jnp.float32)
    # neighborhood as edge_index: row 0 = source cells (senders), row 1 = destination cells (receivers)
    neighborhood = jax.random.randint(k2, (2, N_EDGES), 0, N_NODES, dtype=jnp.int32)
    return {"x": x, "neighborhood": neighborhood}


def reference(x, neighborhood):
    # Step 1 (message): gather features from source/sender cells along each edge.
    src = neighborhood[0]
    dst = neighborhood[1]
    messages = jnp.take(x, src, axis=0)  # [E, d]
    # Step 2 (aggregate): intra-neighborhood scatter-sum onto receiver cells.
    aggregated = jax.ops.segment_sum(messages, dst, num_segments=x.shape[0])  # [N, d]
    # update: identity
    return aggregated

if __name__ == "__main__":
    import jax
    _d = setup_inputs()
    print(jax.jit(kernel)(*tuple(_d.values())))

</pallas_src>

<mosaic_0001>
#map = affine_map<(d0, d1) -> (0, 0)>
#map1 = affine_map<(d0, d1) -> (0, 0, 0)>
module attributes {stable_mosaic.version = 14 : i64} {
  func.func @scatter_kernel(%arg0: i32, %arg1: i32, %arg2: memref<10000x128xf32, #tpu.memory_space<hbm>>, %arg3: memref<2672x2x120xi32, #tpu.memory_space<hbm>>, %arg4: memref<2x10112x128xf32, #tpu.memory_space<hbm>>, %arg5: memref<2x120xi32, #tpu.memory_space<vmem>>, %arg6: memref<2x120xi32, #tpu.memory_space<vmem>>, %arg7: memref<2x120xi32, #tpu.memory_space<vmem>>, %arg8: memref<2x120xi32, #tpu.memory_space<vmem>>, %arg9: memref<2x120xi32, #tpu.memory_space<vmem>>, %arg10: memref<2x120xi32, #tpu.memory_space<vmem>>, %arg11: memref<120x128xf32, #tpu.memory_space<vmem>>, %arg12: memref<120x128xf32, #tpu.memory_space<vmem>>, %arg13: memref<120x128xf32, #tpu.memory_space<vmem>>, %arg14: memref<10112x128xf32, #tpu.memory_space<vmem_shared>>, %arg15: memref<!tpu.dma_semaphore, #tpu.memory_space<semaphore_mem>>, %arg16: memref<!tpu.dma_semaphore, #tpu.memory_space<semaphore_mem>>, %arg17: memref<!tpu.dma_semaphore, #tpu.memory_space<semaphore_mem>>, %arg18: memref<!tpu.dma_semaphore, #tpu.memory_space<semaphore_mem>>, %arg19: memref<!tpu.dma_semaphore, #tpu.memory_space<semaphore_mem>>, %arg20: memref<!tpu.dma_semaphore, #tpu.memory_space<semaphore_mem>>, %arg21: memref<!tpu.dma_semaphore, #tpu.memory_space<semaphore_mem>>, %arg22: memref<!tpu.dma_semaphore, #tpu.memory_space<semaphore_mem>>, %arg23: memref<!tpu.dma_semaphore, #tpu.memory_space<semaphore_mem>>, %arg24: memref<!tpu.dma_semaphore, #tpu.memory_space<semaphore_mem>>, %arg25: memref<!tpu.dma_semaphore, #tpu.memory_space<semaphore_mem>>, %arg26: memref<!tpu.dma_semaphore, #tpu.memory_space<semaphore_mem>>) attributes {dimension_semantics = [#tpu.dimension_semantics<core_parallel>, #tpu.dimension_semantics<subcore_parallel>], iteration_bounds = array<i64: 2, 16>, scalar_prefetch = 0 : i64, scratch_operands = 22 : i64, tpu.core_type = #tpu.core_type<sc_vector_subcore>, window_params = [{transform_indices = #map}, {transform_indices = #map1}, {transform_indices = #map1}]} {
    %scan3A = arith.constant 0 : i32
    %scan3A_0 = arith.constant 0 : i32
    %scan3A_1 = arith.constant 120 : i32
    %scan3A_2 = arith.addi %scan3A_0, %scan3A_1 : i32
    %scan3A_3 = arith.constant 1 : i32
    scf.for %scan3A_39 = %scan3A_0 to %scan3A_2 step %scan3A_3  : i32 {
      %broadcast_in_dim3A = arith.constant 0.000000e+00 : f32
      %broadcast_in_dim3A_40 = vector.broadcast %broadcast_in_dim3A : f32 to vector<16xf32>
      %swap3A = arith.index_cast %scan3A_39 : i32 to index
      %swap3A_41 = arith.constant 0 : index
      %swap3A_42 = tpu.vector_load %arg11[%swap3A, %swap3A_41] {strides = array<i32>} : memref<120x128xf32, #tpu.memory_space<vmem>>, vector<1x16xf32>,
      %swap3A_43 = vector.shape_cast %swap3A_42 : vector<1x16xf32> to vector<16xf32>
      %swap3A_44 = vector.shape_cast %broadcast_in_dim3A_40 : vector<16xf32> to vector<1x16xf32>
      tpu.vector_store %arg11[%swap3A, %swap3A_41], %swap3A_44 {strides = array<i32>} : memref<120x128xf32, #tpu.memory_space<vmem>>, vector<1x16xf32>,
      %swap3A_45 = arith.index_cast %scan3A_39 : i32 to index
      %swap3A_46 = arith.constant 16 : index
      %swap3A_47 = tpu.vector_load %arg11[%swap3A_45, %swap3A_46] {strides = array<i32>} : memref<120x128xf32, #tpu.memory_space<vmem>>, vector<1x16xf32>,
      %swap3A_48 = vector.shape_cast %swap3A_47 : vector<1x16xf32> to vector<16xf32>
      %swap3A_49 = vector.shape_cast %broadcast_in_dim3A_40 : vector<16xf32> to vector<1x16xf32>
      tpu.vector_store %arg11[%swap3A_45, %swap3A_46], %swap3A_49 {strides = array<i32>} : memref<120x128xf32, #tpu.memory_space<vmem>>, vector<1x16xf32>,
      %swap3A_50 = arith.index_cast %scan3A_39 : i32 to index
      %swap3A_51 = arith.constant 32 : index
      %swap3A_52 = tpu.vector_load %arg11[%swap3A_50, %swap3A_51] {strides = array<i32>} : memref<120x128xf32, #tpu.memory_space<vmem>>, vector<1x16xf32>,
      %swap3A_53 = vector.shape_cast %swap3A_52 : vector<1x16xf32> to vector<16xf32>
      %swap3A_54 = vector.shape_cast %broadcast_in_dim3A_40 : vector<16xf32> to vector<1x16xf32>
      tpu.vector_store %arg11[%swap3A_50, %swap3A_51], %swap3A_54 {strides = array<i32>} : memref<120x128xf32, #tpu.memory_space<vmem>>, vector<1x16xf32>,
      %swap3A_55 = arith.index_cast %scan3A_39 : i32 to index
      %swap3A_56 = arith.constant 48 : index
      %swap3A_57 = tpu.vector_load %arg11[%swap3A_55, %swap3A_56] {strides = array<i32>} : memref<120x128xf32, #tpu.memory_space<vmem>>, vector<1x16xf32>,
      %swap3A_58 = vector.shape_cast %swap3A_57 : vector<1x16xf32> to vector<16xf32>
      %swap3A_59 = vector.shape_cast %broadcast_in_dim3A_40 : vector<16xf32> to vector<1x16xf32>
      tpu.vector_store %arg11[%swap3A_55, %swap3A_56], %swap3A_59 {strides = array<i32>} : memref<120x128xf32, #tpu.memory_space<vmem>>, vector<1x16xf32>,
      %swap3A_60 = arith.index_cast %scan3A_39 : i32 to index
      %swap3A_61 = arith.constant 64 : index
      %swap3A_62 = tpu.vector_load %arg11[%swap3A_60, %swap3A_61] {strides = array<i32>} : memref<120x128xf32, #tpu.memory_space<vmem>>, vector<1x16xf32>,
      %swap3A_63 = vector.shape_cast %swap3A_62 : vector<1x16xf32> to vector<16xf32>
      %swap3A_64 = vector.shape_cast %broadcast_in_dim3A_40 : vector<16xf32> to vector<1x16xf32>
      tpu.vector_store %arg11[%swap3A_60, %swap3A_61], %swap3A_64 {strides = array<i32>} : memref<120x128xf32, #tpu.memory_space<vmem>>, vector<1x16xf32>,
      %swap3A_65 = arith.index_cast %scan3A_39 : i32 to index
      %swap3A_66 = arith.constant 80 : index
      %swap3A_67 = tpu.vector_load %arg11[%swap3A_65, %swap3A_66] {strides = array<i32>} : memref<120x128xf32, #tpu.memory_space<vmem>>, vector<1x16xf32>,
      %swap3A_68 = vector.shape_cast %swap3A_67 : vector<1x16xf32> to vector<16xf32>
      %swap3A_69 = vector.shape_cast %broadcast_in_dim3A_40 : vector<16xf32> to vector<1x16xf32>
      tpu.vector_store %arg11[%swap3A_65, %swap3A_66], %swap3A_69 {strides = array<i32>} : memref<120x128xf32, #tpu.memory_space<vmem>>, vector<1x16xf32>,
      %swap3A_70 = arith.index_cast %scan3A_39 : i32 to index
      %swap3A_71 = arith.constant 96 : index
      %swap3A_72 = tpu.vector_load %arg11[%swap3A_70, %swap3A_71] {strides = array<i32>} : memref<120x128xf32, #tpu.memory_space<vmem>>, vector<1x16xf32>,
      %swap3A_73 = vector.shape_cast %swap3A_72 : vector<1x16xf32> to vector<16xf32>
      %swap3A_74 = vector.shape_cast %broadcast_in_dim3A_40 : vector<16xf32> to vector<1x16xf32>
      tpu.vector_store %arg11[%swap3A_70, %swap3A_71], %swap3A_74 {strides = array<i32>} : memref<120x128xf32, #tpu.memory_space<vmem>>, vector<1x16xf32>,
      %swap3A_75 = arith.index_cast %scan3A_39 : i32 to index
      %swap3A_76 = arith.constant 112 : index
      %swap3A_77 = tpu.vector_load %arg11[%swap3A_75, %swap3A_76] {strides = array<i32>} : memref<120x128xf32, #tpu.memory_space<vmem>>, vector<1x16xf32>,
      %swap3A_78 = vector.shape_cast %swap3A_77 : vector<1x16xf32> to vector<16xf32>
      %swap3A_79 = vector.shape_cast %broadcast_in_dim3A_40 : vector<16xf32> to vector<1x16xf32>
      tpu.vector_store %arg11[%swap3A_75, %swap3A_76], %swap3A_79 {strides = array<i32>} : memref<120x128xf32, #tpu.memory_space<vmem>>, vector<1x16xf32>,
    }
    %scan3A_4 = arith.constant 120 : i32
    %mul3A = arith.constant 632 : i32
    %mul3A_5 = arith.muli %arg1, %mul3A : i32
    %add3A = arith.constant 0 : i32
    %add3A_6 = arith.addi %mul3A_5, %add3A : i32
    "tpu.region"() ({
      %run_scoped3A = tpu.sem_alloc : memref<!tpu.dma_semaphore, #tpu.memory_space<semaphore_mem>>
      %dma_start3A = arith.constant 0 : i32
      %dma_start3A_39 = tpu.memref_slice %arg14[%add3A_6, %dma_start3A] : memref<10112x128xf32, #tpu.memory_space<vmem_shared>> -> memref<120x128xf32, #tpu.memory_space<vmem_shared>>
      %dma_start3A_40 = arith.constant 0 : i32
      %dma_start3A_41 = tpu.memref_slice %arg14[%add3A_6, %dma_start3A_40] : memref<10112x128xf32, #tpu.memory_space<vmem_shared>> -> memref<120x128xf32, #tpu.memory_space<vmem_shared>>
      tpu.enqueue_dma source(%arg11 : memref<120x128xf32, #tpu.memory_space<vmem>>) target(%dma_start3A_41 : memref<120x128xf32, #tpu.memory_space<vmem_shared>>) target_semaphore(%run_scoped3A : memref<!tpu.dma_semaphore, #tpu.memory_space<semaphore_mem>>)
      %dma_wait3A = arith.constant 0 : i32
      %dma_wait3A_42 = tpu.memref_slice %arg14[%add3A_6, %dma_wait3A] : memref<10112x128xf32, #tpu.memory_space<vmem_shared>> -> memref<120x128xf32, #tpu.memory_space<vmem_shared>>
      %dma_wait3A_43 = arith.constant 0 : i32
      %dma_wait3A_44 = tpu.memref_slice %arg14[%add3A_6, %dma_wait3A_43] : memref<10112x128xf32, #tpu.memory_space<vmem_shared>> -> memref<120x128xf32, #tpu.memory_space<vmem_shared>>
      tpu.wait_dma2 semaphore(%run_scoped3A : memref<!tpu.dma_semaphore, #tpu.memory_space<semaphore_mem>>) src(%arg11 : memref<120x128xf32, #tpu.memory_space<vmem>>) dst(%dma_wait3A_44 : memref<120x128xf32, #tpu.memory_space<vmem_shared>>)
      tpu.yield
    }) : () -> ()
    %mul3A_7 = arith.constant 632 : i32
    %mul3A_8 = arith.muli %arg1, %mul3A_7 : i32
    %add3A_9 = arith.constant 120 : i32
    %add3A_10 = arith.addi %mul3A_8, %add3A_9 : i32
    "tpu.region"() ({
      %run_scoped3A = tpu.sem_alloc : memref<!tpu.dma_semaphore, #tpu.memory_space<semaphore_mem>>
      %dma_start3A = arith.constant 0 : i32
      %dma_start3A_39 = tpu.memref_slice %arg14[%add3A_10, %dma_start3A] : memref<10112x128xf32, #tpu.memory_space<vmem_shared>> -> memref<120x128xf32, #tpu.memory_space<vmem_shared>>
      %dma_start3A_40 = arith.constant 0 : i32
      %dma_start3A_41 = tpu.memref_slice %arg14[%add3A_10, %dma_start3A_40] : memref<10112x128xf32, #tpu.memory_space<vmem_shared>> -> memref<120x128xf32, #tpu.memory_space<vmem_shared>>
      tpu.enqueue_dma source(%arg11 : memref<120x128xf32, #tpu.memory_space<vmem>>) target(%dma_start3A_41 : memref<120x128xf32, #tpu.memory_space<vmem_shared>>) target_semaphore(%run_scoped3A : memref<!tpu.dma_semaphore, #tpu.memory_space<semaphore_mem>>)
      %dma_wait3A = arith.constant 0 : i32
      %dma_wait3A_42 = tpu.memref_slice %arg14[%add3A_10, %dma_wait3A] : memref<10112x128xf32, #tpu.memory_space<vmem_shared>> -> memref<120x128xf32, #tpu.memory_space<vmem_shared>>
      %dma_wait3A_43 = arith.constant 0 : i32
      %dma_wait3A_44 = tpu.memref_slice %arg14[%add3A_10, %dma_wait3A_43] : memref<10112x128xf32, #tpu.memory_space<vmem_shared>> -> memref<120x128xf32, #tpu.memory_space<vmem_shared>>
      tpu.wait_dma2 semaphore(%run_scoped3A : memref<!tpu.dma_semaphore, #tpu.memory_space<semaphore_mem>>) src(%arg11 : memref<120x128xf32, #tpu.memory_space<vmem>>) dst(%dma_wait3A_44 : memref<120x128xf32, #tpu.memory_space<vmem_shared>>)
      tpu.yield
    }) : () -> ()
    %mul3A_11 = arith.constant 632 : i32
    %mul3A_12 = arith.muli %arg1, %mul3A_11 : i32
    %add3A_13 = arith.constant 240 : i32
    %add3A_14 = arith.addi %mul3A_12, %add3A_13 : i32
    "tpu.region"() ({
      %run_scoped3A = tpu.sem_alloc : memref<!tpu.dma_semaphore, #tpu.memory_space<semaphore_mem>>
      %dma_start3A = arith.constant 0 : i32
      %dma_start3A_39 = tpu.memref_slice %arg14[%add3A_14, %dma_start3A] : memref<10112x128xf32, #tpu.memory_space<vmem_shared>> -> memref<120x128xf32, #tpu.memory_space<vmem_shared>>
      %dma_start3A_40 = arith.constant 0 : i32
      %dma_start3A_41 = tpu.memref_slice %arg14[%add3A_14, %dma_start3A_40] : memref<10112x128xf32, #tpu.memory_space<vmem_shared>> -> memref<120x128xf32, #tpu.memory_space<vmem_shared>>
      tpu.enqueue_dma source(%arg11 : memref<120x128xf32, #tpu.memory_space<vmem>>) target(%dma_start3A_41 : memref<120x128xf32, #tpu.memory_space<vmem_shared>>) target_semaphore(%run_scoped3A : memref<!tpu.dma_semaphore, #tpu.memory_space<semaphore_mem>>)
      %dma_wait3A = arith.constant 0 : i32
      %dma_wait3A_42 = tpu.memref_slice %arg14[%add3A_14, %dma_wait3A] : memref<10112x128xf32, #tpu.memory_space<vmem_shared>> -> memref<120x128xf32, #tpu.memory_space<vmem_shared>>
      %dma_wait3A_43 = arith.constant 0 : i32
      %dma_wait3A_44 = tpu.memref_slice %arg14[%add3A_14, %dma_wait3A_43] : memref<10112x128xf32, #tpu.memory_space<vmem_shared>> -> memref<120x128xf32, #tpu.memory_space<vmem_shared>>
      tpu.wait_dma2 semaphore(%run_scoped3A : memref<!tpu.dma_semaphore, #tpu.memory_space<semaphore_mem>>) src(%arg11 : memref<120x128xf32, #tpu.memory_space<vmem>>) dst(%dma_wait3A_44 : memref<120x128xf32, #tpu.memory_space<vmem_shared>>)
      tpu.yield
    }) : () -> ()
    %mul3A_15 = arith.constant 632 : i32
    %mul3A_16 = arith.muli %arg1, %mul3A_15 : i32
    %add3A_17 = arith.constant 360 : i32
    %add3A_18 = arith.addi %mul3A_16, %add3A_17 : i32
    "tpu.region"() ({
      %run_scoped3A = tpu.sem_alloc : memref<!tpu.dma_semaphore, #tpu.memory_space<semaphore_mem>>
      %dma_start3A = arith.constant 0 : i32
      %dma_start3A_39 = tpu.memref_slice %arg14[%add3A_18, %dma_start3A] : memref<10112x128xf32, #tpu.memory_space<vmem_shared>> -> memref<120x128xf32, #tpu.memory_space<vmem_shared>>
      %dma_start3A_40 = arith.constant 0 : i32
      %dma_start3A_41 = tpu.memref_slice %arg14[%add3A_18, %dma_start3A_40] : memref<10112x128xf32, #tpu.memory_space<vmem_shared>> -> memref<120x128xf32, #tpu.memory_space<vmem_shared>>
      tpu.enqueue_dma source(%arg11 : memref<120x128xf32, #tpu.memory_space<vmem>>) target(%dma_start3A_41 : memref<120x128xf32, #tpu.memory_space<vmem_shared>>) target_semaphore(%run_scoped3A : memref<!tpu.dma_semaphore, #tpu.memory_space<semaphore_mem>>)
      %dma_wait3A = arith.constant 0 : i32
      %dma_wait3A_42 = tpu.memref_slice %arg14[%add3A_18, %dma_wait3A] : memref<10112x128xf32, #tpu.memory_space<vmem_shared>> -> memref<120x128xf32, #tpu.memory_space<vmem_shared>>
      %dma_wait3A_43 = arith.constant 0 : i32
      %dma_wait3A_44 = tpu.memref_slice %arg14[%add3A_18, %dma_wait3A_43] : memref<10112x128xf32, #tpu.memory_space<vmem_shared>> -> memref<120x128xf32, #tpu.memory_space<vmem_shared>>
      tpu.wait_dma2 semaphore(%run_scoped3A : memref<!tpu.dma_semaphore, #tpu.memory_space<semaphore_mem>>) src(%arg11 : memref<120x128xf32, #tpu.memory_space<vmem>>) dst(%dma_wait3A_44 : memref<120x128xf32, #tpu.memory_space<vmem_shared>>)
      tpu.yield
    }) : () -> ()
    %mul3A_19 = arith.constant 632 : i32
    %mul3A_20 = arith.muli %arg1, %mul3A_19 : i32
    %add3A_21 = arith.constant 480 : i32
    %add3A_22 = arith.addi %mul3A_20, %add3A_21 : i32
    "tpu.region"() ({
      %run_scoped3A = tpu.sem_alloc : memref<!tpu.dma_semaphore, #tpu.memory_space<semaphore_mem>>
      %dma_start3A = arith.constant 0 : i32
      %dma_start3A_39 = tpu.memref_slice %arg14[%add3A_22, %dma_start3A] : memref<10112x128xf32, #tpu.memory_space<vmem_shared>> -> memref<120x128xf32, #tpu.memory_space<vmem_shared>>
      %dma_start3A_40 = arith.constant 0 : i32
      %dma_start3A_41 = tpu.memref_slice %arg14[%add3A_22, %dma_start3A_40] : memref<10112x128xf32, #tpu.memory_space<vmem_shared>> -> memref<120x128xf32, #tpu.memory_space<vmem_shared>>
      tpu.enqueue_dma source(%arg11 : memref<120x128xf32, #tpu.memory_space<vmem>>) target(%dma_start3A_41 : memref<120x128xf32, #tpu.memory_space<vmem_shared>>) target_semaphore(%run_scoped3A : memref<!tpu.dma_semaphore, #tpu.memory_space<semaphore_mem>>)
      %dma_wait3A = arith.constant 0 : i32
      %dma_wait3A_42 = tpu.memref_slice %arg14[%add3A_22, %dma_wait3A] : memref<10112x128xf32, #tpu.memory_space<vmem_shared>> -> memref<120x128xf32, #tpu.memory_space<vmem_shared>>
      %dma_wait3A_43 = arith.constant 0 : i32
      %dma_wait3A_44 = tpu.memref_slice %arg14[%add3A_22, %dma_wait3A_43] : memref<10112x128xf32, #tpu.memory_space<vmem_shared>> -> memref<120x128xf32, #tpu.memory_space<vmem_shared>>
      tpu.wait_dma2 semaphore(%run_scoped3A : memref<!tpu.dma_semaphore, #tpu.memory_space<semaphore_mem>>) src(%arg11 : memref<120x128xf32, #tpu.memory_space<vmem>>) dst(%dma_wait3A_44 : memref<120x128xf32, #tpu.memory_space<vmem_shared>>)
      tpu.yield
    }) : () -> ()
    %mul3A_23 = arith.constant 632 : i32
    %mul3A_24 = arith.muli %arg1, %mul3A_23 : i32
    %add3A_25 = arith.constant 600 : i32
    %add3A_26 = arith.addi %mul3A_24, %add3A_25 : i32
    "tpu.region"() ({
      %run_scoped3A = tpu.sem_alloc : memref<!tpu.dma_semaphore, #tpu.memory_space<semaphore_mem>>
      %dma_start3A = arith.constant 0 : i32
      %dma_start3A_39 = arith.constant 0 : i32
      %dma_start3A_40 = tpu.memref_slice %arg11[%dma_start3A, %dma_start3A_39] : memref<120x128xf32, #tpu.memory_space<vmem>> -> memref<32x128xf32, #tpu.memory_space<vmem>>
      %dma_start3A_41 = arith.constant 0 : i32
      %dma_start3A_42 = tpu.memref_slice %arg14[%add3A_26, %dma_start3A_41] : memref<10112x128xf32, #tpu.memory_space<vmem_shared>> -> memref<32x128xf32, #tpu.memory_space<vmem_shared>>
      %dma_start3A_43 = arith.constant 0 : i32
      %dma_start3A_44 = tpu.memref_slice %arg14[%add3A_26, %dma_start3A_43] : memref<10112x128xf32, #tpu.memory_space<vmem_shared>> -> memref<32x128xf32, #tpu.memory_space<vmem_shared>>
      %dma_start3A_45 = arith.constant 0 : i32
      %dma_start3A_46 = arith.constant 0 : i32
      %dma_start3A_47 = tpu.memref_slice %arg11[%dma_start3A_45, %dma_start3A_46] : memref<120x128xf32, #tpu.memory_space<vmem>> -> memref<32x128xf32, #tpu.memory_space<vmem>>
      tpu.enqueue_dma source(%dma_start3A_47 : memref<32x128xf32, #tpu.memory_space<vmem>>) target(%dma_start3A_44 : memref<32x128xf32, #tpu.memory_space<vmem_shared>>) target_semaphore(%run_scoped3A : memref<!tpu.dma_semaphore, #tpu.memory_space<semaphore_mem>>)
      %dma_wait3A = arith.constant 0 : i32
      %dma_wait3A_48 = arith.constant 0 : i32
      %dma_wait3A_49 = tpu.memref_slice %arg11[%dma_wait3A, %dma_wait3A_48] : memref<120x128xf32, #tpu.memory_space<vmem>> -> memref<32x128xf32, #tpu.memory_space<vmem>>
      %dma_wait3A_50 = arith.constant 0 : i32
      %dma_wait3A_51 = tpu.memref_slice %arg14[%add3A_26, %dma_wait3A_50] : memref<10112x128xf32, #tpu.memory_space<vmem_shared>> -> memref<32x128xf32, #tpu.memory_space<vmem_shared>>
      %dma_wait3A_52 = arith.constant 0 : i32
      %dma_wait3A_53 = tpu.memref_slice %arg14[%add3A_26, %dma_wait3A_52] : memref<10112x128xf32, #tpu.memory_space<vmem_shared>> -> memref<32x128xf32, #tpu.memory_space<vmem_shared>>
      %dma_wait3A_54 = arith.constant 0 : i32
      %dma_wait3A_55 = arith.constant 0 : i32
      %dma_wait3A_56 = tpu.memref_slice %arg11[%dma_wait3A_54, %dma_wait3A_55] : memref<120x128xf32, #tpu.memory_space<vmem>> -> memref<32x128xf32, #tpu.memory_space<vmem>>
      tpu.wait_dma2 semaphore(%run_scoped3A : memref<!tpu.dma_semaphore, #tpu.memory_space<semaphore_mem>>) src(%dma_wait3A_56 : memref<32x128xf32, #tpu.memory_space<vmem>>) dst(%dma_wait3A_53 : memref<32x128xf32, #tpu.memory_space<vmem_shared>>)
      tpu.yield
    }) : () -> ()
    %barrier3A = arith.constant 0 : index
    tpu.barrier barrier_id(%barrier3A)
    %eq3A = arith.constant 0 : i32
    %eq3A_27 = arith.cmpi eq, %arg0, %eq3A : i32
    %convert_element_type3A = arith.extui %eq3A_27 : i1 to i32
    %cond3A = arith.constant 0 : i32
    %cond3A_28 = arith.cmpi ne, %convert_element_type3A, %cond3A : i32
    scf.if %cond3A_28 {
      %mul3A_39 = arith.constant 117 : i32
      %mul3A_40 = arith.muli %arg1, %mul3A_39 : i32
      %add3A_41 = arith.constant 0 : i32
      %add3A_42 = arith.addi %mul3A_40, %add3A_41 : i32
      %dma_start3A = arith.constant 0 : i32
      %dma_start3A_43 = arith.constant 0 : i32
      %dma_start3A_44 = tpu.memref_slice %arg3[%add3A_42, %dma_start3A, %dma_start3A_43] : memref<2672x2x120xi32, #tpu.memory_space<hbm>> -> memref<1x2x120xi32, #tpu.memory_space<hbm>>
      %dma_start3A_45 = tpu.memref_squeeze %dma_start3A_44 : memref<1x2x120xi32, #tpu.memory_space<hbm>> -> memref<2x120xi32, #tpu.memory_space<hbm>>
      %dma_start3A_46 = arith.constant 0 : i32
      %dma_start3A_47 = arith.constant 0 : i32
      %dma_start3A_48 = tpu.memref_slice %arg3[%add3A_42, %dma_start3A_46, %dma_start3A_47] : memref<2672x2x120xi32, #tpu.memory_space<hbm>> -> memref<1x2x120xi32, #tpu.memory_space<hbm>>
      %dma_start3A_49 = tpu.memref_squeeze %dma_start3A_48 : memref<1x2x120xi32, #tpu.memory_space<hbm>> -> memref<2x120xi32, #tpu.memory_space<hbm>>
      tpu.enqueue_dma source(%dma_start3A_49 : memref<2x120xi32, #tpu.memory_space<hbm>>) target(%arg5 : memref<2x120xi32, #tpu.memory_space<vmem>>) target_semaphore(%arg15 : memref<!tpu.dma_semaphore, #tpu.memory_space<semaphore_mem>>)
      %add3A_50 = arith.constant 1 : i32
      %add3A_51 = arith.addi %mul3A_40, %add3A_50 : i32
      %dma_start3A_52 = arith.constant 0 : i32
      %dma_start3A_53 = arith.constant 0 : i32
      %dma_start3A_54 = tpu.memref_slice %arg3[%add3A_51, %dma_start3A_52, %dma_start3A_53] : memref<2672x2x120xi32, #tpu.memory_space<hbm>> -> memref<1x2x120xi32, #tpu.memory_space<hbm>>
      %dma_start3A_55 = tpu.memref_squeeze %dma_start3A_54 : memref<1x2x120xi32, #tpu.memory_space<hbm>> -> memref<2x120xi32, #tpu.memory_space<hbm>>
      %dma_start3A_56 = arith.constant 0 : i32
      %dma_start3A_57 = arith.constant 0 : i32
      %dma_start3A_58 = tpu.memref_slice %arg3[%add3A_51, %dma_start3A_56, %dma_start3A_57] : memref<2672x2x120xi32, #tpu.memory_space<hbm>> -> memref<1x2x120xi32, #tpu.memory_space<hbm>>
      %dma_start3A_59 = tpu.memref_squeeze %dma_start3A_58 : memref<1x2x120xi32, #tpu.memory_space<hbm>> -> memref<2x120xi32, #tpu.memory_space<hbm>>
      tpu.enqueue_dma source(%dma_start3A_59 : memref<2x120xi32, #tpu.memory_space<hbm>>) target(%arg6 : memref<2x120xi32, #tpu.memory_space<vmem>>) target_semaphore(%arg16 : memref<!tpu.dma_semaphore, #tpu.memory_space<semaphore_mem>>)
      %add3A_60 = arith.constant 2 : i32
      %add3A_61 = arith.addi %mul3A_40, %add3A_60 : i32
      %dma_start3A_62 = arith.constant 0 : i32
      %dma_start3A_63 = arith.constant 0 : i32
      %dma_start3A_64 = tpu.memref_slice %arg3[%add3A_61, %dma_start3A_62, %dma_start3A_63] : memref<2672x2x120xi32, #tpu.memory_space<hbm>> -> memref<1x2x120xi32, #tpu.memory_space<hbm>>
      %dma_start3A_65 = tpu.memref_squeeze %dma_start3A_64 : memref<1x2x120xi32, #tpu.memory_space<hbm>> -> memref<2x120xi32, #tpu.memory_space<hbm>>
      %dma_start3A_66 = arith.constant 0 : i32
      %dma_start3A_67 = arith.constant 0 : i32
      %dma_start3A_68 = tpu.memref_slice %arg3[%add3A_61, %dma_start3A_66, %dma_start3A_67] : memref<2672x2x120xi32, #tpu.memory_space<hbm>> -> memref<1x2x120xi32, #tpu.memory_space<hbm>>
      %dma_start3A_69 = tpu.memref_squeeze %dma_start3A_68 : memref<1x2x120xi32, #tpu.memory_space<hbm>> -> memref<2x120xi32, #tpu.memory_space<hbm>>
      tpu.enqueue_dma source(%dma_start3A_69 : memref<2x120xi32, #tpu.memory_space<hbm>>) target(%arg7 : memref<2x120xi32, #tpu.memory_space<vmem>>) target_semaphore(%arg17 : memref<!tpu.dma_semaphore, #tpu.memory_space<semaphore_mem>>)
      %add3A_70 = arith.constant 3 : i32
      %add3A_71 = arith.addi %mul3A_40, %add3A_70 : i32
      %dma_start3A_72 = arith.constant 0 : i32
      %dma_start3A_73 = arith.constant 0 : i32
      %dma_start3A_74 = tpu.memref_slice %arg3[%add3A_71, %dma_start3A_72, %dma_start3A_73] : memref<2672x2x120xi32, #tpu.memory_space<hbm>> -> memref<1x2x120xi32, #tpu.memory_space<hbm>>
      %dma_start3A_75 = tpu.memref_squeeze %dma_start3A_74 : memref<1x2x120xi32, #tpu.memory_space<hbm>> -> memref<2x120xi32, #tpu.memory_space<hbm>>
      %dma_start3A_76 = arith.constant 0 : i32
      %dma_start3A_77 = arith.constant 0 : i32
      %dma_start3A_78 = tpu.memref_slice %arg3[%add3A_71, %dma_start3A_76, %dma_start3A_77] : memref<2672x2x120xi32, #tpu.memory_space<hbm>> -> memref<1x2x120xi32, #tpu.memory_space<hbm>>
      %dma_start3A_79 = tpu.memref_squeeze %dma_start3A_78 : memref<1x2x120xi32, #tpu.memory_space<hbm>> -> memref<2x120xi32, #tpu.memory_space<hbm>>
      tpu.enqueue_dma source(%dma_start3A_79 : memref<2x120xi32, #tpu.memory_space<hbm>>) target(%arg8 : memref<2x120xi32, #tpu.memory_space<vmem>>) target_semaphore(%arg18 : memref<!tpu.dma_semaphore, #tpu.memory_space<semaphore_mem>>)
      %dma_wait3A = arith.constant 0 : i32
      %dma_wait3A_80 = arith.constant 0 : i32
      %dma_wait3A_81 = tpu.memref_slice %arg3[%mul3A_40, %dma_wait3A, %dma_wait3A_80] : memref<2672x2x120xi32, #tpu.memory_space<hbm>> -> memref<1x2x120xi32, #tpu.memory_space<hbm>>
      %dma_wait3A_82 = tpu.memref_squeeze %dma_wait3A_81 : memref<1x2x120xi32, #tpu.memory_space<hbm>> -> memref<2x120xi32, #tpu.memory_space<hbm>>
      %dma_wait3A_83 = arith.constant 0 : i32
      %dma_wait3A_84 = arith.constant 0 : i32
      %dma_wait3A_85 = tpu.memref_slice %arg3[%mul3A_40, %dma_wait3A_83, %dma_wait3A_84] : memref<2672x2x120xi32, #tpu.memory_space<hbm>> -> memref<1x2x120xi32, #tpu.memory_space<hbm>>
      %dma_wait3A_86 = tpu.memref_squeeze %dma_wait3A_85 : memref<1x2x120xi32, #tpu.memory_space<hbm>> -> memref<2x120xi32, #tpu.memory_space<hbm>>
      tpu.wait_dma2 semaphore(%arg15 : memref<!tpu.dma_semaphore, #tpu.memory_space<semaphore_mem>>) src(%dma_wait3A_86 : memref<2x120xi32, #tpu.memory_space<hbm>>) dst(%arg5 : memref<2x120xi32, #tpu.memory_space<vmem>>)
      %dma_start3A_87 = arith.constant 0 : i32
      %dma_start3A_88 = arith.constant 0 : i32
      %dma_start3A_89 = tpu.memref_slice %arg5[%dma_start3A_87, %dma_start3A_88] : memref<2x120xi32, #tpu.memory_space<vmem>> -> memref<1x120xi32, #tpu.memory_space<vmem>>
      %dma_start3A_90 = tpu.memref_squeeze %dma_start3A_89 : memref<1x120xi32, #tpu.memory_space<vmem>> -> memref<120xi32, #tpu.memory_space<vmem>>
      %dma_start3A_91 = arith.constant 0 : i32
      %dma_start3A_92 = arith.constant 0 : i32
      %dma_start3A_93 = tpu.memref_slice %arg2[%dma_start3A_91, %dma_start3A_92] : memref<10000x128xf32, #tpu.memory_space<hbm>> -> memref<10000x128xf32, #tpu.memory_space<hbm>>
      tpu.enqueue_indirect_dma source(%dma_start3A_93 : memref<10000x128xf32, #tpu.memory_space<hbm>>) target(%arg11 : memref<120x128xf32, #tpu.memory_space<vmem>>) offsets(%dma_start3A_90 : memref<120xi32, #tpu.memory_space<vmem>>) semaphore(%arg21 : memref<!tpu.dma_semaphore, #tpu.memory_space<semaphore_mem>>)
      %scan3A_94 = arith.constant 0 : i32
      %scan3A_95 = arith.constant 0 : i32
      %scan3A_96 = arith.constant 117 : i32
      %scan3A_97 = arith.addi %scan3A_95, %scan3A_96 : i32
      %scan3A_98 = arith.constant 1 : i32
      scf.for %scan3A_114 = %scan3A_95 to %scan3A_97 step %scan3A_98  : i32 {
        %jit3A = arith.constant 6 : i32
        %eq3A_115 = arith.constant 0 : i32
        %eq3A_116 = arith.cmpi eq, %jit3A, %eq3A_115 : i32
        %jit3A_117 = arith.constant 1 : i32
        %select_n3A = arith.select %eq3A_116, %jit3A_117, %jit3A : i32
        %rem3A = arith.remsi %scan3A_114, %select_n3A : i32
        %ne3A = arith.constant 0 : i32
        %ne3A_118 = arith.cmpi ne, %rem3A, %ne3A : i32
        %lt3A = arith.constant 0 : i32
        %lt3A_119 = arith.cmpi slt, %rem3A, %lt3A : i32
        %lt3A_120 = arith.constant 0 : i32
        %lt3A_121 = arith.cmpi slt, %select_n3A, %lt3A_120 : i32
        %ne3A_122 = arith.xori %lt3A_119, %lt3A_121 : i1
        %and3A = arith.andi %ne3A_122, %ne3A_118 : i1
        %add3A_123 = arith.addi %rem3A, %select_n3A : i32
        %select_n3A_124 = arith.select %and3A, %add3A_123, %rem3A : i32
        %eq3A_125 = arith.constant 0 : i32
        %eq3A_126 = arith.cmpi eq, %select_n3A_124, %eq3A_125 : i32
        %convert_element_type3A_127 = arith.extui %eq3A_126 : i1 to i32
        %cond3A_128 = arith.constant 0 : i32
        %cond3A_129 = arith.cmpi ne, %convert_element_type3A_127, %cond3A_128 : i32
        scf.if %cond3A_129 {
          %ge3A = arith.constant 2 : i32
          %ge3A_235 = arith.cmpi sge, %scan3A_114, %ge3A : i32
          %convert_element_type3A_236 = arith.extui %ge3A_235 : i1 to i32
          %cond3A_237 = arith.constant 0 : i32
          %cond3A_238 = arith.cmpi ne, %convert_element_type3A_236, %cond3A_237 : i32
          scf.if %cond3A_238 {
            %dma_wait3A_267 = arith.constant 1 : i32
            %dma_wait3A_268 = arith.constant 0 : i32
            %dma_wait3A_269 = tpu.memref_slice %arg9[%dma_wait3A_267, %dma_wait3A_268] : memref<2x120xi32, #tpu.memory_space<vmem>> -> memref<1x120xi32, #tpu.memory_space<vmem>>
            %dma_wait3A_270 = tpu.memref_squeeze %dma_wait3A_269 : memref<1x120xi32, #tpu.memory_space<vmem>> -> memref<120xi32, #tpu.memory_space<vmem>>
            %dma_wait3A_271 = arith.constant 0 : i32
            %dma_wait3A_272 = arith.constant 0 : i32
            %dma_wait3A_273 = tpu.memref_slice %arg14[%dma_wait3A_271, %dma_wait3A_272] : memref<10112x128xf32, #tpu.memory_space<vmem_shared>> -> memref<10112x128xf32, #tpu.memory_space<vmem_shared>>
            tpu.wait_indirect_dma semaphore(%arg25 : memref<!tpu.dma_semaphore, #tpu.memory_space<semaphore_mem>>) src(%arg12 : memref<120x128xf32, #tpu.memory_space<vmem>>) dst(%dma_wait3A_273 : memref<10112x128xf32, #tpu.memory_space<vmem_shared>>)
          } else {
          }
          %add3A_239 = arith.constant 4 : i32
          %add3A_240 = arith.addi %scan3A_114, %add3A_239 : i32
          %lt3A_241 = arith.constant 117 : i32
          %lt3A_242 = arith.cmpi slt, %add3A_240, %lt3A_241 : i32
          %convert_element_type3A_243 = arith.extui %lt3A_242 : i1 to i32
          %cond3A_244 = arith.constant 0 : i32
          %cond3A_245 = arith.cmpi ne, %convert_element_type3A_243, %cond3A_244 : i32
          scf.if %cond3A_245 {
            %add3A_267 = arith.addi %mul3A_40, %scan3A_114 : i32
            %add3A_268 = arith.constant 4 : i32
            %add3A_269 = arith.addi %add3A_267, %add3A_268 : i32
            %dma_start3A_270 = arith.constant 0 : i32
            %dma_start3A_271 = arith.constant 0 : i32
            %dma_start3A_272 = tpu.memref_slice %arg3[%add3A_269, %dma_start3A_270, %dma_start3A_271] : memref<2672x2x120xi32, #tpu.memory_space<hbm>> -> memref<1x2x120xi32, #tpu.memory_space<hbm>>
            %dma_start3A_273 = tpu.memref_squeeze %dma_start3A_272 : memref<1x2x120xi32, #tpu.memory_space<hbm>> -> memref<2x120xi32, #tpu.memory_space<hbm>>
            %dma_start3A_274 = arith.constant 0 : i32
            %dma_start3A_275 = arith.constant 0 : i32
            %dma_start3A_276 = tpu.memref_slice %arg3[%add3A_269, %dma_start3A_274, %dma_start3A_275] : memref<2672x2x120xi32, #tpu.memory_space<hbm>> -> memref<1x2x120xi32, #tpu.memory_space<hbm>>
            %dma_start3A_277 = tpu.memref_squeeze %dma_start3A_276 : memref<1x2x120xi32, #tpu.memory_space<hbm>> -> memref<2x120xi32, #tpu.memory_space<hbm>>
            tpu.enqueue_dma source(%dma_start3A_277 : memref<2x120xi32, #tpu.memory_space<hbm>>) target(%arg9 : memref<2x120xi32, #tpu.memory_space<vmem>>) target_semaphore(%arg19 : memref<!tpu.dma_semaphore, #tpu.memory_space<semaphore_mem>>)
          } else {
          }
          %add3A_246 = arith.constant 1 : i32
          %add3A_247 = arith.addi %scan3A_114, %add3A_246 : i32
          %lt3A_248 = arith.constant 117 : i32
          %lt3A_249 = arith.cmpi slt, %add3A_247, %lt3A_248 : i32
          %convert_element_type3A_250 = arith.extui %lt3A_249 : i1 to i32
          %cond3A_251 = arith.constant 0 : i32
          %cond3A_252 = arith.cmpi ne, %convert_element_type3A_250, %cond3A_251 : i32
          scf.if %cond3A_252 {
            %add3A_267 = arith.addi %mul3A_40, %scan3A_114 : i32
            %add3A_268 = arith.constant 1 : i32
            %add3A_269 = arith.addi %add3A_267, %add3A_268 : i32
            %dma_wait3A_270 = arith.constant 0 : i32
            %dma_wait3A_271 = arith.constant 0 : i32
            %dma_wait3A_272 = tpu.memref_slice %arg3[%add3A_269, %dma_wait3A_270, %dma_wait3A_271] : memref<2672x2x120xi32, #tpu.memory_space<hbm>> -> memref<1x2x120xi32, #tpu.memory_space<hbm>>
            %dma_wait3A_273 = tpu.memref_squeeze %dma_wait3A_272 : memref<1x2x120xi32, #tpu.memory_space<hbm>> -> memref<2x120xi32, #tpu.memory_space<hbm>>
            %dma_wait3A_274 = arith.constant 0 : i32
            %dma_wait3A_275 = arith.constant 0 : i32
            %dma_wait3A_276 = tpu.memref_slice %arg3[%add3A_269, %dma_wait3A_274, %dma_wait3A_275] : memref<2672x2x120xi32, #tpu.memory_space<hbm>> -> memref<1x2x120xi32, #tpu.memory_space<hbm>>
            %dma_wait3A_277 = tpu.memref_squeeze %dma_wait3A_276 : memref<1x2x120xi32, #tpu.memory_space<hbm>> -> memref<2x120xi32, #tpu.memory_space<hbm>>
            tpu.wait_dma2 semaphore(%arg16 : memref<!tpu.dma_semaphore, #tpu.memory_space<semaphore_mem>>) src(%dma_wait3A_277 : memref<2x120xi32, #tpu.memory_space<hbm>>) dst(%arg6 : memref<2x120xi32, #tpu.memory_space<vmem>>)
            %dma_start3A_278 = arith.constant 0 : i32
            %dma_start3A_279 = arith.constant 0 : i32
            %dma_start3A_280 = tpu.memref_slice %arg6[%dma_start3A_278, %dma_start3A_279] : memref<2x120xi32, #tpu.memory_space<vmem>> -> memref<1x120xi32, #tpu.memory_space<vmem>>
            %dma_start3A_281 = tpu.memref_squeeze %dma_start3A_280 : memref<1x120xi32, #tpu.memory_space<vmem>> -> memref<120xi32, #tpu.memory_space<vmem>>
            %dma_start3A_282 = arith.constant 0 : i32
            %dma_start3A_283 = arith.constant 0 : i32
            %dma_start3A_284 = tpu.memref_slice %arg2[%dma_start3A_282, %dma_start3A_283] : memref<10000x128xf32, #tpu.memory_space<hbm>> -> memref<10000x128xf32, #tpu.memory_space<hbm>>
            tpu.enqueue_indirect_dma source(%dma_start3A_284 : memref<10000x128xf32, #tpu.memory_space<hbm>>) target(%arg12 : memref<120x128xf32, #tpu.memory_space<vmem>>) offsets(%dma_start3A_281 : memref<120xi32, #tpu.memory_space<vmem>>) semaphore(%arg22 : memref<!tpu.dma_semaphore, #tpu.memory_space<semaphore_mem>>)
          } else {
          }
          %dma_wait3A_253 = arith.constant 0 : i32
          %dma_wait3A_254 = arith.constant 0 : i32
          %dma_wait3A_255 = tpu.memref_slice %arg5[%dma_wait3A_253, %dma_wait3A_254] : memref<2x120xi32, #tpu.memory_space<vmem>> -> memref<1x120xi32, #tpu.memory_space<vmem>>
          %dma_wait3A_256 = tpu.memref_squeeze %dma_wait3A_255 : memref<1x120xi32, #tpu.memory_space<vmem>> -> memref<120xi32, #tpu.memory_space<vmem>>
          %dma_wait3A_257 = arith.constant 0 : i32
          %dma_wait3A_258 = arith.constant 0 : i32
          %dma_wait3A_259 = tpu.memref_slice %arg2[%dma_wait3A_257, %dma_wait3A_258] : memref<10000x128xf32, #tpu.memory_space<hbm>> -> memref<10000x128xf32, #tpu.memory_space<hbm>>
          tpu.wait_indirect_dma semaphore(%arg21 : memref<!tpu.dma_semaphore, #tpu.memory_space<semaphore_mem>>) src(%dma_wait3A_259 : memref<10000x128xf32, #tpu.memory_space<hbm>>) dst(%arg11 : memref<120x128xf32, #tpu.memory_space<vmem>>)
          %dma_start3A_260 = arith.constant 1 : i32
          %dma_start3A_261 = arith.constant 0 : i32
          %dma_start3A_262 = tpu.memref_slice %arg5[%dma_start3A_260, %dma_start3A_261] : memref<2x120xi32, #tpu.memory_space<vmem>> -> memref<1x120xi32, #tpu.memory_space<vmem>>
          %dma_start3A_263 = tpu.memref_squeeze %dma_start3A_262 : memref<1x120xi32, #tpu.memory_space<vmem>> -> memref<120xi32, #tpu.memory_space<vmem>>
          %dma_start3A_264 = arith.constant 0 : i32
          %dma_start3A_265 = arith.constant 0 : i32
          %dma_start3A_266 = tpu.memref_slice %arg14[%dma_start3A_264, %dma_start3A_265] : memref<10112x128xf32, #tpu.memory_space<vmem_shared>> -> memref<10112x128xf32, #tpu.memory_space<vmem_shared>>
          tpu.enqueue_indirect_dma source(%arg11 : memref<120x128xf32, #tpu.memory_space<vmem>>) target(%dma_start3A_266 : memref<10112x128xf32, #tpu.memory_space<vmem_shared>>) offsets(%dma_start3A_263 : memref<120xi32, #tpu.memory_space<vmem>>) semaphore(%arg24 : memref<!tpu.dma_semaphore, #tpu.memory_space<semaphore_mem>>) {add = true}
        } else {
        }
        %jit3A_130 = arith.constant 6 : i32
        %eq3A_131 = arith.constant 0 : i32
        %eq3A_132 = arith.cmpi eq, %jit3A_130, %eq3A_131 : i32
        %jit3A_133 = arith.constant 1 : i32
        %select_n3A_134 = arith.select %eq3A_132, %jit3A_133, %jit3A_130 : i32
        %rem3A_135 = arith.remsi %scan3A_114, %select_n3A_134 : i32
        %ne3A_136 = arith.constant 0 : i32
        %ne3A_137 = arith.cmpi ne, %rem3A_135, %ne3A_136 : i32
        %lt3A_138 = arith.constant 0 : i32
        %lt3A_139 = arith.cmpi slt, %rem3A_135, %lt3A_138 : i32
        %lt3A_140 = arith.constant 0 : i32
        %lt3A_141 = arith.cmpi slt, %select_n3A_134, %lt3A_140 : i32
        %ne3A_142 = arith.xori %lt3A_139, %lt3A_141 : i1
        %and3A_143 = arith.andi %ne3A_142, %ne3A_137 : i1
        %add3A_144 = arith.addi %rem3A_135, %select_n3A_134 : i32
        %select_n3A_145 = arith.select %and3A_143, %add3A_144, %rem3A_135 : i32
        %eq3A_146 = arith.constant 1 : i32
        %eq3A_147 = arith.cmpi eq, %select_n3A_145, %eq3A_146 : i32
        %convert_element_type3A_148 = arith.extui %eq3A_147 : i1 to i32
        %cond3A_149 = arith.constant 0 : i32
        %cond3A_150 = arith.cmpi ne, %convert_element_type3A_148, %cond3A_149 : i32
        scf.if %cond3A_150 {
          %ge3A = arith.constant 2 : i32
          %ge3A_235 = arith.cmpi sge, %scan3A_114, %ge3A : i32
          %convert_element_type3A_236 = arith.extui %ge3A_235 : i1 to i32
          %cond3A_237 = arith.constant 0 : i32
          %cond3A_238 = arith.cmpi ne, %convert_element_type3A_236, %cond3A_237 : i32
          scf.if %cond3A_238 {
            %dma_wait3A_267 = arith.constant 1 : i32
            %dma_wait3A_268 = arith.constant 0 : i32
            %dma_wait3A_269 = tpu.memref_slice %arg10[%dma_wait3A_267, %dma_wait3A_268] : memref<2x120xi32, #tpu.memory_space<vmem>> -> memref<1x120xi32, #tpu.memory_space<vmem>>
            %dma_wait3A_270 = tpu.memref_squeeze %dma_wait3A_269 : memref<1x120xi32, #tpu.memory_space<vmem>> -> memref<120xi32, #tpu.memory_space<vmem>>
            %dma_wait3A_271 = arith.constant 0 : i32
            %dma_wait3A_272 = arith.constant 0 : i32
            %dma_wait3A_273 = tpu.memref_slice %arg14[%dma_wait3A_271, %dma_wait3A_272] : memref<10112x128xf32, #tpu.memory_space<vmem_shared>> -> memref<10112x128xf32, #tpu.memory_space<vmem_shared>>
            tpu.wait_indirect_dma semaphore(%arg26 : memref<!tpu.dma_semaphore, #tpu.memory_space<semaphore_mem>>) src(%arg13 : memref<120x128xf32, #tpu.memory_space<vmem>>) dst(%dma_wait3A_273 : memref<10112x128xf32, #tpu.memory_space<vmem_shared>>)
          } else {
          }
          %add3A_239 = arith.constant 4 : i32
          %add3A_240 = arith.addi %scan3A_114, %add3A_239 : i32
          %lt3A_241 = arith.constant 117 : i32
          %lt3A_242 = arith.cmpi slt, %add3A_240, %lt3A_241 : i32
          %convert_element_type3A_243 = arith.extui %lt3A_242 : i1 to i32
          %cond3A_244 = arith.constant 0 : i32
          %cond3A_245 = arith.cmpi ne, %convert_element_type3A_243, %cond3A_244 : i32
          scf.if %cond3A_245 {
            %add3A_267 = arith.addi %mul3A_40, %scan3A_114 : i32
            %add3A_268 = arith.constant 4 : i32
            %add3A_269 = arith.addi %add3A_267, %add3A_268 : i32
            %dma_start3A_270 = arith.constant 0 : i32
            %dma_start3A_271 = arith.constant 0 : i32
            %dma_start3A_272 = tpu.memref_slice %arg3[%add3A_269, %dma_start3A_270, %dma_start3A_271] : memref<2672x2x120xi32, #tpu.memory_space<hbm>> -> memref<1x2x120xi32, #tpu.memory_space<hbm>>
            %dma_start3A_273 = tpu.memref_squeeze %dma_start3A_272 : memref<1x2x120xi32, #tpu.memory_space<hbm>> -> memref<2x120xi32, #tpu.memory_space<hbm>>
            %dma_start3A_274 = arith.constant 0 : i32
            %dma_start3A_275 = arith.constant 0 : i32
            %dma_start3A_276 = tpu.memref_slice %arg3[%add3A_269, %dma_start3A_274, %dma_start3A_275] : memref<2672x2x120xi32, #tpu.memory_space<hbm>> -> memref<1x2x120xi32, #tpu.memory_space<hbm>>
            %dma_start3A_277 = tpu.memref_squeeze %dma_start3A_276 : memref<1x2x120xi32, #tpu.memory_space<hbm>> -> memref<2x120xi32, #tpu.memory_space<hbm>>
            tpu.enqueue_dma source(%dma_start3A_277 : memref<2x120xi32, #tpu.memory_space<hbm>>) target(%arg10 : memref<2x120xi32, #tpu.memory_space<vmem>>) target_semaphore(%arg20 : memref<!tpu.dma_semaphore, #tpu.memory_space<semaphore_mem>>)
          } else {
          }
          %add3A_246 = arith.constant 1 : i32
          %add3A_247 = arith.addi %scan3A_114, %add3A_246 : i32
          %lt3A_248 = arith.constant 117 : i32
          %lt3A_249 = arith.cmpi slt, %add3A_247, %lt3A_248 : i32
          %convert_element_type3A_250 = arith.extui %lt3A_249 : i1 to i32
          %cond3A_251 = arith.constant 0 : i32
          %cond3A_252 = arith.cmpi ne, %convert_element_type3A_250, %cond3A_251 : i32
          scf.if %cond3A_252 {
            %add3A_267 = arith.addi %mul3A_40, %scan3A_114 : i32
            %add3A_268 = arith.constant 1 : i32
            %add3A_269 = arith.addi %add3A_267, %add3A_268 : i32
            %dma_wait3A_270 = arith.constant 0 : i32
            %dma_wait3A_271 = arith.constant 0 : i32
            %dma_wait3A_272 = tpu.memref_slice %arg3[%add3A_269, %dma_wait3A_270, %dma_wait3A_271] : memref<2672x2x120xi32, #tpu.memory_space<hbm>> -> memref<1x2x120xi32, #tpu.memory_space<hbm>>
            %dma_wait3A_273 = tpu.memref_squeeze %dma_wait3A_272 : memref<1x2x120xi32, #tpu.memory_space<hbm>> -> memref<2x120xi32, #tpu.memory_space<hbm>>
            %dma_wait3A_274 = arith.constant 0 : i32
            %dma_wait3A_275 = arith.constant 0 : i32
            %dma_wait3A_276 = tpu.memref_slice %arg3[%add3A_269, %dma_wait3A_274, %dma_wait3A_275] : memref<2672x2x120xi32, #tpu.memory_space<hbm>> -> memref<1x2x120xi32, #tpu.memory_space<hbm>>
            %dma_wait3A_277 = tpu.memref_squeeze %dma_wait3A_276 : memref<1x2x120xi32, #tpu.memory_space<hbm>> -> memref<2x120xi32, #tpu.memory_space<hbm>>
            tpu.wait_dma2 semaphore(%arg17 : memref<!tpu.dma_semaphore, #tpu.memory_space<semaphore_mem>>) src(%dma_wait3A_277 : memref<2x120xi32, #tpu.memory_space<hbm>>) dst(%arg7 : memref<2x120xi32, #tpu.memory_space<vmem>>)
            %dma_start3A_278 = arith.constant 0 : i32
            %dma_start3A_279 = arith.constant 0 : i32
            %dma_start3A_280 = tpu.memref_slice %arg7[%dma_start3A_278, %dma_start3A_279] : memref<2x120xi32, #tpu.memory_space<vmem>> -> memref<1x120xi32, #tpu.memory_space<vmem>>
            %dma_start3A_281 = tpu.memref_squeeze %dma_start3A_280 : memref<1x120xi32, #tpu.memory_space<vmem>> -> memref<120xi32, #tpu.memory_space<vmem>>
            %dma_start3A_282 = arith.constant 0 : i32
            %dma_start3A_283 = arith.constant 0 : i32
            %dma_start3A_284 = tpu.memref_slice %arg2[%dma_start3A_282, %dma_start3A_283] : memref<10000x128xf32, #tpu.memory_space<hbm>> -> memref<10000x128xf32, #tpu.memory_space<hbm>>
            tpu.enqueue_indirect_dma source(%dma_start3A_284 : memref<10000x128xf32, #tpu.memory_space<hbm>>) target(%arg13 : memref<120x128xf32, #tpu.memory_space<vmem>>) offsets(%dma_start3A_281 : memref<120xi32, #tpu.memory_space<vmem>>) semaphore(%arg23 : memref<!tpu.dma_semaphore, #tpu.memory_space<semaphore_mem>>)
          } else {
          }
          %dma_wait3A_253 = arith.constant 0 : i32
          %dma_wait3A_254 = arith.constant 0 : i32
          %dma_wait3A_255 = tpu.memref_slice %arg6[%dma_wait3A_253, %dma_wait3A_254] : memref<2x120xi32, #tpu.memory_space<vmem>> -> memref<1x120xi32, #tpu.memory_space<vmem>>
          %dma_wait3A_256 = tpu.memref_squeeze %dma_wait3A_255 : memref<1x120xi32, #tpu.memory_space<vmem>> -> memref<120xi32, #tpu.memory_space<vmem>>
          %dma_wait3A_257 = arith.constant 0 : i32
          %dma_wait3A_258 = arith.constant 0 : i32
          %dma_wait3A_259 = tpu.memref_slice %arg2[%dma_wait3A_257, %dma_wait3A_258] : memref<10000x128xf32, #tpu.memory_space<hbm>> -> memref<10000x128xf32, #tpu.memory_space<hbm>>
          tpu.wait_indirect_dma semaphore(%arg22 : memref<!tpu.dma_semaphore, #tpu.memory_space<semaphore_mem>>) src(%dma_wait3A_259 : memref<10000x128xf32, #tpu.memory_space<hbm>>) dst(%arg12 : memref<120x128xf32, #tpu.memory_space<vmem>>)
          %dma_start3A_260 = arith.constant 1 : i32
          %dma_start3A_261 = arith.constant 0 : i32
          %dma_start3A_262 = tpu.memref_slice %arg6[%dma_start3A_260, %dma_start3A_261] : memref<2x120xi32, #tpu.memory_space<vmem>> -> memref<1x120xi32, #tpu.memory_space<vmem>>
          %dma_start3A_263 = tpu.memref_squeeze %dma_start3A_262 : memref<1x120xi32, #tpu.memory_space<vmem>> -> memref<120xi32, #tpu.memory_space<vmem>>
          %dma_start3A_264 = arith.constant 0 : i32
          %dma_start3A_265 = arith.constant 0 : i32
          %dma_start3A_266 = tpu.memref_slice %arg14[%dma_start3A_264, %dma_start3A_265] : memref<10112x128xf32, #tpu.memory_space<vmem_shared>> -> memref<10112x128xf32, #tpu.memory_space<vmem_shared>>
          tpu.enqueue_indirect_dma source(%arg12 : memref<120x128xf32, #tpu.memory_space<vmem>>) target(%dma_start3A_266 : memref<10112x128xf32, #tpu.memory_space<vmem_shared>>) offsets(%dma_start3A_263 : memref<120xi32, #tpu.memory_space<vmem>>) semaphore(%arg25 : memref<!tpu.dma_semaphore, #tpu.memory_space<semaphore_mem>>) {add = true}
        } else {
        }
        %jit3A_151 = arith.constant 6 : i32
        %eq3A_152 = arith.constant 0 : i32
        %eq3A_153 = arith.cmpi eq, %jit3A_151, %eq3A_152 : i32
        %jit3A_154 = arith.constant 1 : i32
        %select_n3A_155 = arith.select %eq3A_153, %jit3A_154, %jit3A_151 : i32
        %rem3A_156 = arith.remsi %scan3A_114, %select_n3A_155 : i32
        %ne3A_157 = arith.constant 0 : i32
        %ne3A_158 = arith.cmpi ne, %rem3A_156, %ne3A_157 : i32
        %lt3A_159 = arith.constant 0 : i32
        %lt3A_160 = arith.cmpi slt, %rem3A_156, %lt3A_159 : i32
        %lt3A_161 = arith.constant 0 : i32
        %lt3A_162 = arith.cmpi slt, %select_n3A_155, %lt3A_161 : i32
        %ne3A_163 = arith.xori %lt3A_160, %lt3A_162 : i1
        %and3A_164 = arith.andi %ne3A_163, %ne3A_158 : i1
        %add3A_165 = arith.addi %rem3A_156, %select_n3A_155 : i32
        %select_n3A_166 = arith.select %and3A_164, %add3A_165, %rem3A_156 : i32
        %eq3A_167 = arith.constant 2 : i32
        %eq3A_168 = arith.cmpi eq, %select_n3A_166, %eq3A_167 : i32
        %convert_element_type3A_169 = arith.extui %eq3A_168 : i1 to i32
        %cond3A_170 = arith.constant 0 : i32
        %cond3A_171 = arith.cmpi ne, %convert_element_type3A_169, %cond3A_170 : i32
        scf.if %cond3A_171 {
          %ge3A = arith.constant 2 : i32
          %ge3A_235 = arith.cmpi sge, %scan3A_114, %ge3A : i32
          %convert_element_type3A_236 = arith.extui %ge3A_235 : i1 to i32
          %cond3A_237 = arith.constant 0 : i32
          %cond3A_238 = arith.cmpi ne, %convert_element_type3A_236, %cond3A_237 : i32
          scf.if %cond3A_238 {
            %dma_wait3A_267 = arith.constant 1 : i32
            %dma_wait3A_268 = arith.constant 0 : i32
            %dma_wait3A_269 = tpu.memref_slice %arg5[%dma_wait3A_267, %dma_wait3A_268] : memref<2x120xi32, #tpu.memory_space<vmem>> -> memref<1x120xi32, #tpu.memory_space<vmem>>
            %dma_wait3A_270 = tpu.memref_squeeze %dma_wait3A_269 : memref<1x120xi32, #tpu.memory_space<vmem>> -> memref<120xi32, #tpu.memory_space<vmem>>
            %dma_wait3A_271 = arith.constant 0 : i32
            %dma_wait3A_272 = arith.constant 0 : i32
            %dma_wait3A_273 = tpu.memref_slice %arg14[%dma_wait3A_271, %dma_wait3A_272] : memref<10112x128xf32, #tpu.memory_space<vmem_shared>> -> memref<10112x128xf32, #tpu.memory_space<vmem_shared>>
            tpu.wait_indirect_dma semaphore(%arg24 : memref<!tpu.dma_semaphore, #tpu.memory_space<semaphore_mem>>) src(%arg11 : memref<120x128xf32, #tpu.memory_space<vmem>>) dst(%dma_wait3A_273 : memref<10112x128xf32, #tpu.memory_space<vmem_shared>>)
          } else {
          }
          %add3A_239 = arith.constant 4 : i32
          %add3A_240 = arith.addi %scan3A_114, %add3A_239 : i32
          %lt3A_241 = arith.constant 117 : i32
          %lt3A_242 = arith.cmpi slt, %add3A_240, %lt3A_241 : i32
          %convert_element_type3A_243 = arith.extui %lt3A_242 : i1 to i32
          %cond3A_244 = arith.constant 0 : i32
          %cond3A_245 = arith.cmpi ne, %convert_element_type3A_243, %cond3A_244 : i32
          scf.if %cond3A_245 {
            %add3A_267 = arith.addi %mul3A_40, %scan3A_114 : i32
            %add3A_268 = arith.constant 4 : i32
            %add3A_269 = arith.addi %add3A_267, %add3A_268 : i32
            %dma_start3A_270 = arith.constant 0 : i32
            %dma_start3A_271 = arith.constant 0 : i32
            %dma_start3A_272 = tpu.memref_slice %arg3[%add3A_269, %dma_start3A_270, %dma_start3A_271] : memref<2672x2x120xi32, #tpu.memory_space<hbm>> -> memref<1x2x120xi32, #tpu.memory_space<hbm>>
            %dma_start3A_273 = tpu.memref_squeeze %dma_start3A_272 : memref<1x2x120xi32, #tpu.memory_space<hbm>> -> memref<2x120xi32, #tpu.memory_space<hbm>>
            %dma_start3A_274 = arith.constant 0 : i32
            %dma_start3A_275 = arith.constant 0 : i32
            %dma_start3A_276 = tpu.memref_slice %arg3[%add3A_269, %dma_start3A_274, %dma_start3A_275] : memref<2672x2x120xi32, #tpu.memory_space<hbm>> -> memref<1x2x120xi32, #tpu.memory_space<hbm>>
            %dma_start3A_277 = tpu.memref_squeeze %dma_start3A_276 : memref<1x2x120xi32, #tpu.memory_space<hbm>> -> memref<2x120xi32, #tpu.memory_space<hbm>>
            tpu.enqueue_dma source(%dma_start3A_277 : memref<2x120xi32, #tpu.memory_space<hbm>>) target(%arg5 : memref<2x120xi32, #tpu.memory_space<vmem>>) target_semaphore(%arg15 : memref<!tpu.dma_semaphore, #tpu.memory_space<semaphore_mem>>)
          } else {
          }
          %add3A_246 = arith.constant 1 : i32
          %add3A_247 = arith.addi %scan3A_114, %add3A_246 : i32
          %lt3A_248 = arith.constant 117 : i32
          %lt3A_249 = arith.cmpi slt, %add3A_247, %lt3A_248 : i32
          %convert_element_type3A_250 = arith.extui %lt3A_249 : i1 to i32
          %cond3A_251 = arith.constant 0 : i32
          %cond3A_252 = arith.cmpi ne, %convert_element_type3A_250, %cond3A_251 : i32
          scf.if %cond3A_252 {
            %add3A_267 = arith.addi %mul3A_40, %scan3A_114 : i32
            %add3A_268 = arith.constant 1 : i32
            %add3A_269 = arith.addi %add3A_267, %add3A_268 : i32
            %dma_wait3A_270 = arith.constant 0 : i32
            %dma_wait3A_271 = arith.constant 0 : i32
            %dma_wait3A_272 = tpu.memref_slice %arg3[%add3A_269, %dma_wait3A_270, %dma_wait3A_271] : memref<2672x2x120xi32, #tpu.memory_space<hbm>> -> memref<1x2x120xi32, #tpu.memory_space<hbm>>
            %dma_wait3A_273 = tpu.memref_squeeze %dma_wait3A_272 : memref<1x2x120xi32, #tpu.memory_space<hbm>> -> memref<2x120xi32, #tpu.memory_space<hbm>>
            %dma_wait3A_274 = arith.constant 0 : i32
            %dma_wait3A_275 = arith.constant 0 : i32
            %dma_wait3A_276 = tpu.memref_slice %arg3[%add3A_269, %dma_wait3A_274, %dma_wait3A_275] : memref<2672x2x120xi32, #tpu.memory_space<hbm>> -> memref<1x2x120xi32, #tpu.memory_space<hbm>>
            %dma_wait3A_277 = tpu.memref_squeeze %dma_wait3A_276 : memref<1x2x120xi32, #tpu.memory_space<hbm>> -> memref<2x120xi32, #tpu.memory_space<hbm>>
            tpu.wait_dma2 semaphore(%arg18 : memref<!tpu.dma_semaphore, #tpu.memory_space<semaphore_mem>>) src(%dma_wait3A_277 : memref<2x120xi32, #tpu.memory_space<hbm>>) dst(%arg8 : memref<2x120xi32, #tpu.memory_space<vmem>>)
            %dma_start3A_278 = arith.constant 0 : i32
            %dma_start3A_279 = arith.constant 0 : i32
            %dma_start3A_280 = tpu.memref_slice %arg8[%dma_start3A_278, %dma_start3A_279] : memref<2x120xi32, #tpu.memory_space<vmem>> -> memref<1x120xi32, #tpu.memory_space<vmem>>
            %dma_start3A_281 = tpu.memref_squeeze %dma_start3A_280 : memref<1x120xi32, #tpu.memory_space<vmem>> -> memref<120xi32, #tpu.memory_space<vmem>>
            %dma_start3A_282 = arith.constant 0 : i32
            %dma_start3A_283 = arith.constant 0 : i32
            %dma_start3A_284 = tpu.memref_slice %arg2[%dma_start3A_282, %dma_start3A_283] : memref<10000x128xf32, #tpu.memory_space<hbm>> -> memref<10000x128xf32, #tpu.memory_space<hbm>>
            tpu.enqueue_indirect_dma source(%dma_start3A_284 : memref<10000x128xf32, #tpu.memory_space<hbm>>) target(%arg11 : memref<120x128xf32, #tpu.memory_space<vmem>>) offsets(%dma_start3A_281 : memref<120xi32, #tpu.memory_space<vmem>>) semaphore(%arg21 : memref<!tpu.dma_semaphore, #tpu.memory_space<semaphore_mem>>)
          } else {
          }
          %dma_wait3A_253 = arith.constant 0 : i32
          %dma_wait3A_254 = arith.constant 0 : i32
          %dma_wait3A_255 = tpu.memref_slice %arg7[%dma_wait3A_253, %dma_wait3A_254] : memref<2x120xi32, #tpu.memory_space<vmem>> -> memref<1x120xi32, #tpu.memory_space<vmem>>
          %dma_wait3A_256 = tpu.memref_squeeze %dma_wait3A_255 : memref<1x120xi32, #tpu.memory_space<vmem>> -> memref<120xi32, #tpu.memory_space<vmem>>
          %dma_wait3A_257 = arith.constant 0 : i32
          %dma_wait3A_258 = arith.constant 0 : i32
          %dma_wait3A_259 = tpu.memref_slice %arg2[%dma_wait3A_257, %dma_wait3A_258] : memref<10000x128xf32, #tpu.memory_space<hbm>> -> memref<10000x128xf32, #tpu.memory_space<hbm>>
          tpu.wait_indirect_dma semaphore(%arg23 : memref<!tpu.dma_semaphore, #tpu.memory_space<semaphore_mem>>) src(%dma_wait3A_259 : memref<10000x128xf32, #tpu.memory_space<hbm>>) dst(%arg13 : memref<120x128xf32, #tpu.memory_space<vmem>>)
          %dma_start3A_260 = arith.constant 1 : i32
          %dma_start3A_261 = arith.constant 0 : i32
          %dma_start3A_262 = tpu.memref_slice %arg7[%dma_start3A_260, %dma_start3A_261] : memref<2x120xi32, #tpu.memory_space<vmem>> -> memref<1x120xi32, #tpu.memory_space<vmem>>
          %dma_start3A_263 = tpu.memref_squeeze %dma_start3A_262 : memref<1x120xi32, #tpu.memory_space<vmem>> -> memref<120xi32, #tpu.memory_space<vmem>>
          %dma_start3A_264 = arith.constant 0 : i32
          %dma_start3A_265 = arith.constant 0 : i32
          %dma_start3A_266 = tpu.memref_slice %arg14[%dma_start3A_264, %dma_start3A_265] : memref<10112x128xf32, #tpu.memory_space<vmem_shared>> -> memref<10112x128xf32, #tpu.memory_space<vmem_shared>>
          tpu.enqueue_indirect_dma source(%arg13 : memref<120x128xf32, #tpu.memory_space<vmem>>) target(%dma_start3A_266 : memref<10112x128xf32, #tpu.memory_space<vmem_shared>>) offsets(%dma_start3A_263 : memref<120xi32, #tpu.memory_space<vmem>>) semaphore(%arg26 : memref<!tpu.dma_semaphore, #tpu.memory_space<semaphore_mem>>) {add = true}
        } else {
        }
        %jit3A_172 = arith.constant 6 : i32
        %eq3A_173 = arith.constant 0 : i32
        %eq3A_174 = arith.cmpi eq, %jit3A_172, %eq3A_173 : i32
        %jit3A_175 = arith.constant 1 : i32
        %select_n3A_176 = arith.select %eq3A_174, %jit3A_175, %jit3A_172 : i32
        %rem3A_177 = arith.remsi %scan3A_114, %select_n3A_176 : i32
        %ne3A_178 = arith.constant 0 : i32
        %ne3A_179 = arith.cmpi ne, %rem3A_177, %ne3A_178 : i32
        %lt3A_180 = arith.constant 0 : i32
        %lt3A_181 = arith.cmpi slt, %rem3A_177, %lt3A_180 : i32
        %lt3A_182 = arith.constant 0 : i32
        %lt3A_183 = arith.cmpi slt, %select_n3A_176, %lt3A_182 : i32
        %ne3A_184 = arith.xori %lt3A_181, %lt3A_183 : i1
        %and3A_185 = arith.andi %ne3A_184, %ne3A_179 : i1
        %add3A_186 = arith.addi %rem3A_177, %select_n3A_176 : i32
        %select_n3A_187 = arith.select %and3A_185, %add3A_186, %rem3A_177 : i32
        %eq3A_188 = arith.constant 3 : i32
        %eq3A_189 = arith.cmpi eq, %select_n3A_187, %eq3A_188 : i32
        %convert_element_type3A_190 = arith.extui %eq3A_189 : i1 to i32
        %cond3A_191 = arith.constant 0 : i32
        %cond3A_192 = arith.cmpi ne, %convert_element_type3A_190, %cond3A_191 : i32
        scf.if %cond3A_192 {
          %ge3A = arith.constant 2 : i32
          %ge3A_235 = arith.cmpi sge, %scan3A_114, %ge3A : i32
          %convert_element_type3A_236 = arith.extui %ge3A_235 : i1 to i32
          %cond3A_237 = arith.constant 0 : i32
          %cond3A_238 = arith.cmpi ne, %convert_element_type3A_236, %cond3A_237 : i32
          scf.if %cond3A_238 {
            %dma_wait3A_267 = arith.constant 1 : i32
            %dma_wait3A_268 = arith.constant 0 : i32
            %dma_wait3A_269 = tpu.memref_slice %arg6[%dma_wait3A_267, %dma_wait3A_268] : memref<2x120xi32, #tpu.memory_space<vmem>> -> memref<1x120xi32, #tpu.memory_space<vmem>>
            %dma_wait3A_270 = tpu.memref_squeeze %dma_wait3A_269 : memref<1x120xi32, #tpu.memory_space<vmem>> -> memref<120xi32, #tpu.memory_space<vmem>>
            %dma_wait3A_271 = arith.constant 0 : i32
            %dma_wait3A_272 = arith.constant 0 : i32
            %dma_wait3A_273 = tpu.memref_slice %arg14[%dma_wait3A_271, %dma_wait3A_272] : memref<10112x128xf32, #tpu.memory_space<vmem_shared>> -> memref<10112x128xf32, #tpu.memory_space<vmem_shared>>
            tpu.wait_indirect_dma semaphore(%arg25 : memref<!tpu.dma_semaphore, #tpu.memory_space<semaphore_mem>>) src(%arg12 : memref<120x128xf32, #tpu.memory_space<vmem>>) dst(%dma_wait3A_273 : memref<10112x128xf32, #tpu.memory_space<vmem_shared>>)
          } else {
          }
          %add3A_239 = arith.constant 4 : i32
          %add3A_240 = arith.addi %scan3A_114, %add3A_239 : i32
          %lt3A_241 = arith.constant 117 : i32
          %lt3A_242 = arith.cmpi slt, %add3A_240, %lt3A_241 : i32
          %convert_element_type3A_243 = arith.extui %lt3A_242 : i1 to i32
          %cond3A_244 = arith.constant 0 : i32
          %cond3A_245 = arith.cmpi ne, %convert_element_type3A_243, %cond3A_244 : i32
          scf.if %cond3A_245 {
            %add3A_267 = arith.addi %mul3A_40, %scan3A_114 : i32
            %add3A_268 = arith.constant 4 : i32
            %add3A_269 = arith.addi %add3A_267, %add3A_268 : i32
            %dma_start3A_270 = arith.constant 0 : i32
            %dma_start3A_271 = arith.constant 0 : i32
            %dma_start3A_272 = tpu.memref_slice %arg3[%add3A_269, %dma_start3A_270, %dma_start3A_271] : memref<2672x2x120xi32, #tpu.memory_space<hbm>> -> memref<1x2x120xi32, #tpu.memory_space<hbm>>
            %dma_start3A_273 = tpu.memref_squeeze %dma_start3A_272 : memref<1x2x120xi32, #tpu.memory_space<hbm>> -> memref<2x120xi32, #tpu.memory_space<hbm>>
            %dma_start3A_274 = arith.constant 0 : i32
            %dma_start3A_275 = arith.constant 0 : i32
            %dma_start3A_276 = tpu.memref_slice %arg3[%add3A_269, %dma_start3A_274, %dma_start3A_275] : memref<2672x2x120xi32, #tpu.memory_space<hbm>> -> memref<1x2x120xi32, #tpu.memory_space<hbm>>
            %dma_start3A_277 = tpu.memref_squeeze %dma_start3A_276 : memref<1x2x120xi32, #tpu.memory_space<hbm>> -> memref<2x120xi32, #tpu.memory_space<hbm>>
            tpu.enqueue_dma source(%dma_start3A_277 : memref<2x120xi32, #tpu.memory_space<hbm>>) target(%arg6 : memref<2x120xi32, #tpu.memory_space<vmem>>) target_semaphore(%arg16 : memref<!tpu.dma_semaphore, #tpu.memory_space<semaphore_mem>>)
          } else {
          }
          %add3A_246 = arith.constant 1 : i32
          %add3A_247 = arith.addi %scan3A_114, %add3A_246 : i32
          %lt3A_248 = arith.constant 117 : i32
          %lt3A_249 = arith.cmpi slt, %add3A_247, %lt3A_248 : i32
          %convert_element_type3A_250 = arith.extui %lt3A_249 : i1 to i32
          %cond3A_251 = arith.constant 0 : i32
          %cond3A_252 = arith.cmpi ne, %convert_element_type3A_250, %cond3A_251 : i32
          scf.if %cond3A_252 {
            %add3A_267 = arith.addi %mul3A_40, %scan3A_114 : i32
            %add3A_268 = arith.constant 1 : i32
            %add3A_269 = arith.addi %add3A_267, %add3A_268 : i32
            %dma_wait3A_270 = arith.constant 0 : i32
            %dma_wait3A_271 = arith.constant 0 : i32
            %dma_wait3A_272 = tpu.memref_slice %arg3[%add3A_269, %dma_wait3A_270, %dma_wait3A_271] : memref<2672x2x120xi32, #tpu.memory_space<hbm>> -> memref<1x2x120xi32, #tpu.memory_space<hbm>>
            %dma_wait3A_273 = tpu.memref_squeeze %dma_wait3A_272 : memref<1x2x120xi32, #tpu.memory_space<hbm>> -> memref<2x120xi32, #tpu.memory_space<hbm>>
            %dma_wait3A_274 = arith.constant 0 : i32
            %dma_wait3A_275 = arith.constant 0 : i32
            %dma_wait3A_276 = tpu.memref_slice %arg3[%add3A_269, %dma_wait3A_274, %dma_wait3A_275] : memref<2672x2x120xi32, #tpu.memory_space<hbm>> -> memref<1x2x120xi32, #tpu.memory_space<hbm>>
            %dma_wait3A_277 = tpu.memref_squeeze %dma_wait3A_276 : memref<1x2x120xi32, #tpu.memory_space<hbm>> -> memref<2x120xi32, #tpu.memory_space<hbm>>
            tpu.wait_dma2 semaphore(%arg19 : memref<!tpu.dma_semaphore, #tpu.memory_space<semaphore_mem>>) src(%dma_wait3A_277 : memref<2x120xi32, #tpu.memory_space<hbm>>) dst(%arg9 : memref<2x120xi32, #tpu.memory_space<vmem>>)
            %dma_start3A_278 = arith.constant 0 : i32
            %dma_start3A_279 = arith.constant 0 : i32
            %dma_start3A_280 = tpu.memref_slice %arg9[%dma_start3A_278, %dma_start3A_279] : memref<2x120xi32, #tpu.memory_space<vmem>> -> memref<1x120xi32, #tpu.memory_space<vmem>>
            %dma_start3A_281 = tpu.memref_squeeze %dma_start3A_280 : memref<1x120xi32, #tpu.memory_space<vmem>> -> memref<120xi32, #tpu.memory_space<vmem>>
            %dma_start3A_282 = arith.constant 0 : i32
            %dma_start3A_283 = arith.constant 0 : i32
            %dma_start3A_284 = tpu.memref_slice %arg2[%dma_start3A_282, %dma_start3A_283] : memref<10000x128xf32, #tpu.memory_space<hbm>> -> memref<10000x128xf32, #tpu.memory_space<hbm>>
            tpu.enqueue_indirect_dma source(%dma_start3A_284 : memref<10000x128xf32, #tpu.memory_space<hbm>>) target(%arg12 : memref<120x128xf32, #tpu.memory_space<vmem>>) offsets(%dma_start3A_281 : memref<120xi32, #tpu.memory_space<vmem>>) semaphore(%arg22 : memref<!tpu.dma_semaphore, #tpu.memory_space<semaphore_mem>>)
          } else {
          }
          %dma_wait3A_253 = arith.constant 0 : i32
          %dma_wait3A_254 = arith.constant 0 : i32
          %dma_wait3A_255 = tpu.memref_slice %arg8[%dma_wait3A_253, %dma_wait3A_254] : memref<2x120xi32, #tpu.memory_space<vmem>> -> memref<1x120xi32, #tpu.memory_space<vmem>>
          %dma_wait3A_256 = tpu.memref_squeeze %dma_wait3A_255 : memref<1x120xi32, #tpu.memory_space<vmem>> -> memref<120xi32, #tpu.memory_space<vmem>>
          %dma_wait3A_257 = arith.constant 0 : i32
          %dma_wait3A_258 = arith.constant 0 : i32
          %dma_wait3A_259 = tpu.memref_slice %arg2[%dma_wait3A_257, %dma_wait3A_258] : memref<10000x128xf32, #tpu.memory_space<hbm>> -> memref<10000x128xf32, #tpu.memory_space<hbm>>
          tpu.wait_indirect_dma semaphore(%arg21 : memref<!tpu.dma_semaphore, #tpu.memory_space<semaphore_mem>>) src(%dma_wait3A_259 : memref<10000x128xf32, #tpu.memory_space<hbm>>) dst(%arg11 : memref<120x128xf32, #tpu.memory_space<vmem>>)
          %dma_start3A_260 = arith.constant 1 : i32
          %dma_start3A_261 = arith.constant 0 : i32
          %dma_start3A_262 = tpu.memref_slice %arg8[%dma_start3A_260, %dma_start3A_261] : memref<2x120xi32, #tpu.memory_space<vmem>> -> memref<1x120xi32, #tpu.memory_space<vmem>>
          %dma_start3A_263 = tpu.memref_squeeze %dma_start3A_262 : memref<1x120xi32, #tpu.memory_space<vmem>> -> memref<120xi32, #tpu.memory_space<vmem>>
          %dma_start3A_264 = arith.constant 0 : i32
          %dma_start3A_265 = arith.constant 0 : i32
          %dma_start3A_266 = tpu.memref_slice %arg14[%dma_start3A_264, %dma_start3A_265] : memref<10112x128xf32, #tpu.memory_space<vmem_shared>> -> memref<10112x128xf32, #tpu.memory_space<vmem_shared>>
          tpu.enqueue_indirect_dma source(%arg11 : memref<120x128xf32, #tpu.memory_space<vmem>>) target(%dma_start3A_266 : memref<10112x128xf32, #tpu.memory_space<vmem_shared>>) offsets(%dma_start3A_263 : memref<120xi32, #tpu.memory_space<vmem>>) semaphore(%arg24 : memref<!tpu.dma_semaphore, #tpu.memory_space<semaphore_mem>>) {add = true}
        } else {
        }
        %jit3A_193 = arith.constant 6 : i32
        %eq3A_194 = arith.constant 0 : i32
        %eq3A_195 = arith.cmpi eq, %jit3A_193, %eq3A_194 : i32
        %jit3A_196 = arith.constant 1 : i32
        %select_n3A_197 = arith.select %eq3A_195, %jit3A_196, %jit3A_193 : i32
        %rem3A_198 = arith.remsi %scan3A_114, %select_n3A_197 : i32
        %ne3A_199 = arith.constant 0 : i32
        %ne3A_200 = arith.cmpi ne, %rem3A_198, %ne3A_199 : i32
        %lt3A_201 = arith.constant 0 : i32
        %lt3A_202 = arith.cmpi slt, %rem3A_198, %lt3A_201 : i32
        %lt3A_203 = arith.constant 0 : i32
        %lt3A_204 = arith.cmpi slt, %select_n3A_197, %lt3A_203 : i32
        %ne3A_205 = arith.xori %lt3A_202, %lt3A_204 : i1
        %and3A_206 = arith.andi %ne3A_205, %ne3A_200 : i1
        %add3A_207 = arith.addi %rem3A_198, %select_n3A_197 : i32
        %select_n3A_208 = arith.select %and3A_206, %add3A_207, %rem3A_198 : i32
        %eq3A_209 = arith.constant 4 : i32
        %eq3A_210 = arith.cmpi eq, %select_n3A_208, %eq3A_209 : i32
        %convert_element_type3A_211 = arith.extui %eq3A_210 : i1 to i32
        %cond3A_212 = arith.constant 0 : i32
        %cond3A_213 = arith.cmpi ne, %convert_element_type3A_211, %cond3A_212 : i32
        scf.if %cond3A_213 {
          %ge3A = arith.constant 2 : i32
          %ge3A_235 = arith.cmpi sge, %scan3A_114, %ge3A : i32
          %convert_element_type3A_236 = arith.extui %ge3A_235 : i1 to i32
          %cond3A_237 = arith.constant 0 : i32
          %cond3A_238 = arith.cmpi ne, %convert_element_type3A_236, %cond3A_237 : i32
          scf.if %cond3A_238 {
            %dma_wait3A_267 = arith.constant 1 : i32
            %dma_wait3A_268 = arith.constant 0 : i32
            %dma_wait3A_269 = tpu.memref_slice %arg7[%dma_wait3A_267, %dma_wait3A_268] : memref<2x120xi32, #tpu.memory_space<vmem>> -> memref<1x120xi32, #tpu.memory_space<vmem>>
            %dma_wait3A_270 = tpu.memref_squeeze %dma_wait3A_269 : memref<1x120xi32, #tpu.memory_space<vmem>> -> memref<120xi32, #tpu.memory_space<vmem>>
            %dma_wait3A_271 = arith.constant 0 : i32
            %dma_wait3A_272 = arith.constant 0 : i32
            %dma_wait3A_273 = tpu.memref_slice %arg14[%dma_wait3A_271, %dma_wait3A_272] : memref<10112x128xf32, #tpu.memory_space<vmem_shared>> -> memref<10112x128xf32, #tpu.memory_space<vmem_shared>>
            tpu.wait_indirect_dma semaphore(%arg26 : memref<!tpu.dma_semaphore, #tpu.memory_space<semaphore_mem>>) src(%arg13 : memref<120x128xf32, #tpu.memory_space<vmem>>) dst(%dma_wait3A_273 : memref<10112x128xf32, #tpu.memory_space<vmem_shared>>)
          } else {
          }
          %add3A_239 = arith.constant 4 : i32
          %add3A_240 = arith.addi %scan3A_114, %add3A_239 : i32
          %lt3A_241 = arith.constant 117 : i32
          %lt3A_242 = arith.cmpi slt, %add3A_240, %lt3A_241 : i32
          %convert_element_type3A_243 = arith.extui %lt3A_242 : i1 to i32
          %cond3A_244 = arith.constant 0 : i32
          %cond3A_245 = arith.cmpi ne, %convert_element_type3A_243, %cond3A_244 : i32
          scf.if %cond3A_245 {
            %add3A_267 = arith.addi %mul3A_40, %scan3A_114 : i32
            %add3A_268 = arith.constant 4 : i32
            %add3A_269 = arith.addi %add3A_267, %add3A_268 : i32
            %dma_start3A_270 = arith.constant 0 : i32
            %dma_start3A_271 = arith.constant 0 : i32
            %dma_start3A_272 = tpu.memref_slice %arg3[%add3A_269, %dma_start3A_270, %dma_start3A_271] : memref<2672x2x120xi32, #tpu.memory_space<hbm>> -> memref<1x2x120xi32, #tpu.memory_space<hbm>>
            %dma_start3A_273 = tpu.memref_squeeze %dma_start3A_272 : memref<1x2x120xi32, #tpu.memory_space<hbm>> -> memref<2x120xi32, #tpu.memory_space<hbm>>
            %dma_start3A_274 = arith.constant 0 : i32
            %dma_start3A_275 = arith.constant 0 : i32
            %dma_start3A_276 = tpu.memref_slice %arg3[%add3A_269, %dma_start3A_274, %dma_start3A_275] : memref<2672x2x120xi32, #tpu.memory_space<hbm>> -> memref<1x2x120xi32, #tpu.memory_space<hbm>>
            %dma_start3A_277 = tpu.memref_squeeze %dma_start3A_276 : memref<1x2x120xi32, #tpu.memory_space<hbm>> -> memref<2x120xi32, #tpu.memory_space<hbm>>
            tpu.enqueue_dma source(%dma_start3A_277 : memref<2x120xi32, #tpu.memory_space<hbm>>) target(%arg7 : memref<2x120xi32, #tpu.memory_space<vmem>>) target_semaphore(%arg17 : memref<!tpu.dma_semaphore, #tpu.memory_space<semaphore_mem>>)
          } else {
          }
          %add3A_246 = arith.constant 1 : i32
          %add3A_247 = arith.addi %scan3A_114, %add3A_246 : i32
          %lt3A_248 = arith.constant 117 : i32
          %lt3A_249 = arith.cmpi slt, %add3A_247, %lt3A_248 : i32
          %convert_element_type3A_250 = arith.extui %lt3A_249 : i1 to i32
          %cond3A_251 = arith.constant 0 : i32
          %cond3A_252 = arith.cmpi ne, %convert_element_type3A_250, %cond3A_251 : i32
          scf.if %cond3A_252 {
            %add3A_267 = arith.addi %mul3A_40, %scan3A_114 : i32
            %add3A_268 = arith.constant 1 : i32
            %add3A_269 = arith.addi %add3A_267, %add3A_268 : i32
            %dma_wait3A_270 = arith.constant 0 : i32
            %dma_wait3A_271 = arith.constant 0 : i32
            %dma_wait3A_272 = tpu.memref_slice %arg3[%add3A_269, %dma_wait3A_270, %dma_wait3A_271] : memref<2672x2x120xi32, #tpu.memory_space<hbm>> -> memref<1x2x120xi32, #tpu.memory_space<hbm>>
            %dma_wait3A_273 = tpu.memref_squeeze %dma_wait3A_272 : memref<1x2x120xi32, #tpu.memory_space<hbm>> -> memref<2x120xi32, #tpu.memory_space<hbm>>
            %dma_wait3A_274 = arith.constant 0 : i32
            %dma_wait3A_275 = arith.constant 0 : i32
            %dma_wait3A_276 = tpu.memref_slice %arg3[%add3A_269, %dma_wait3A_274, %dma_wait3A_275] : memref<2672x2x120xi32, #tpu.memory_space<hbm>> -> memref<1x2x120xi32, #tpu.memory_space<hbm>>
            %dma_wait3A_277 = tpu.memref_squeeze %dma_wait3A_276 : memref<1x2x120xi32, #tpu.memory_space<hbm>> -> memref<2x120xi32, #tpu.memory_space<hbm>>
            tpu.wait_dma2 semaphore(%arg20 : memref<!tpu.dma_semaphore, #tpu.memory_space<semaphore_mem>>) src(%dma_wait3A_277 : memref<2x120xi32, #tpu.memory_space<hbm>>) dst(%arg10 : memref<2x120xi32, #tpu.memory_space<vmem>>)
            %dma_start3A_278 = arith.constant 0 : i32
            %dma_start3A_279 = arith.constant 0 : i32
            %dma_start3A_280 = tpu.memref_slice %arg10[%dma_start3A_278, %dma_start3A_279] : memref<2x120xi32, #tpu.memory_space<vmem>> -> memref<1x120xi32, #tpu.memory_space<vmem>>
            %dma_start3A_281 = tpu.memref_squeeze %dma_start3A_280 : memref<1x120xi32, #tpu.memory_space<vmem>> -> memref<120xi32, #tpu.memory_space<vmem>>
            %dma_start3A_282 = arith.constant 0 : i32
            %dma_start3A_283 = arith.constant 0 : i32
            %dma_start3A_284 = tpu.memref_slice %arg2[%dma_start3A_282, %dma_start3A_283] : memref<10000x128xf32, #tpu.memory_space<hbm>> -> memref<10000x128xf32, #tpu.memory_space<hbm>>
            tpu.enqueue_indirect_dma source(%dma_start3A_284 : memref<10000x128xf32, #tpu.memory_space<hbm>>) target(%arg13 : memref<120x128xf32, #tpu.memory_space<vmem>>) offsets(%dma_start3A_281 : memref<120xi32, #tpu.memory_space<vmem>>) semaphore(%arg23 : memref<!tpu.dma_semaphore, #tpu.memory_space<semaphore_mem>>)
          } else {
          }
          %dma_wait3A_253 = arith.constant 0 : i32
          %dma_wait3A_254 = arith.constant 0 : i32
          %dma_wait3A_255 = tpu.memref_slice %arg9[%dma_wait3A_253, %dma_wait3A_254] : memref<2x120xi32, #tpu.memory_space<vmem>> -> memref<1x120xi32, #tpu.memory_space<vmem>>
          %dma_wait3A_256 = tpu.memref_squeeze %dma_wait3A_255 : memref<1x120xi32, #tpu.memory_space<vmem>> -> memref<120xi32, #tpu.memory_space<vmem>>
          %dma_wait3A_257 = arith.constant 0 : i32
          %dma_wait3A_258 = arith.constant 0 : i32
          %dma_wait3A_259 = tpu.memref_slice %arg2[%dma_wait3A_257, %dma_wait3A_258] : memref<10000x128xf32, #tpu.memory_space<hbm>> -> memref<10000x128xf32, #tpu.memory_space<hbm>>
          tpu.wait_indirect_dma semaphore(%arg22 : memref<!tpu.dma_semaphore, #tpu.memory_space<semaphore_mem>>) src(%dma_wait3A_259 : memref<10000x128xf32, #tpu.memory_space<hbm>>) dst(%arg12 : memref<120x128xf32, #tpu.memory_space<vmem>>)
          %dma_start3A_260 = arith.constant 1 : i32
          %dma_start3A_261 = arith.constant 0 : i32
          %dma_start3A_262 = tpu.memref_slice %arg9[%dma_start3A_260, %dma_start3A_261] : memref<2x120xi32, #tpu.memory_space<vmem>> -> memref<1x120xi32, #tpu.memory_space<vmem>>
          %dma_start3A_263 = tpu.memref_squeeze %dma_start3A_262 : memref<1x120xi32, #tpu.memory_space<vmem>> -> memref<120xi32, #tpu.memory_space<vmem>>
          %dma_start3A_264 = arith.constant 0 : i32
          %dma_start3A_265 = arith.constant 0 : i32
          %dma_start3A_266 = tpu.memref_slice %arg14[%dma_start3A_264, %dma_start3A_265] : memref<10112x128xf32, #tpu.memory_space<vmem_shared>> -> memref<10112x128xf32, #tpu.memory_space<vmem_shared>>
          tpu.enqueue_indirect_dma source(%arg12 : memref<120x128xf32, #tpu.memory_space<vmem>>) target(%dma_start3A_266 : memref<10112x128xf32, #tpu.memory_space<vmem_shared>>) offsets(%dma_start3A_263 : memref<120xi32, #tpu.memory_space<vmem>>) semaphore(%arg25 : memref<!tpu.dma_semaphore, #tpu.memory_space<semaphore_mem>>) {add = true}
        } else {
        }
        %jit3A_214 = arith.constant 6 : i32
        %eq3A_215 = arith.constant 0 : i32
        %eq3A_216 = arith.cmpi eq, %jit3A_214, %eq3A_215 : i32
        %jit3A_217 = arith.constant 1 : i32
        %select_n3A_218 = arith.select %eq3A_216, %jit3A_217, %jit3A_214 : i32
        %rem3A_219 = arith.remsi %scan3A_114, %select_n3A_218 : i32
        %ne3A_220 = arith.constant 0 : i32
        %ne3A_221 = arith.cmpi ne, %rem3A_219, %ne3A_220 : i32
        %lt3A_222 = arith.constant 0 : i32
        %lt3A_223 = arith.cmpi slt, %rem3A_219, %lt3A_222 : i32
        %lt3A_224 = arith.constant 0 : i32
        %lt3A_225 = arith.cmpi slt, %select_n3A_218, %lt3A_224 : i32
        %ne3A_226 = arith.xori %lt3A_223, %lt3A_225 : i1
        %and3A_227 = arith.andi %ne3A_226, %ne3A_221 : i1
        %add3A_228 = arith.addi %rem3A_219, %select_n3A_218 : i32
        %select_n3A_229 = arith.select %and3A_227, %add3A_228, %rem3A_219 : i32
        %eq3A_230 = arith.constant 5 : i32
        %eq3A_231 = arith.cmpi eq, %select_n3A_229, %eq3A_230 : i32
        %convert_element_type3A_232 = arith.extui %eq3A_231 : i1 to i32
        %cond3A_233 = arith.constant 0 : i32
        %cond3A_234 = arith.cmpi ne, %convert_element_type3A_232, %cond3A_233 : i32
        scf.if %cond3A_234 {
          %ge3A = arith.constant 2 : i32
          %ge3A_235 = arith.cmpi sge, %scan3A_114, %ge3A : i32
          %convert_element_type3A_236 = arith.extui %ge3A_235 : i1 to i32
          %cond3A_237 = arith.constant 0 : i32
          %cond3A_238 = arith.cmpi ne, %convert_element_type3A_236, %cond3A_237 : i32
          scf.if %cond3A_238 {
            %dma_wait3A_267 = arith.constant 1 : i32
            %dma_wait3A_268 = arith.constant 0 : i32
            %dma_wait3A_269 = tpu.memref_slice %arg8[%dma_wait3A_267, %dma_wait3A_268] : memref<2x120xi32, #tpu.memory_space<vmem>> -> memref<1x120xi32, #tpu.memory_space<vmem>>
            %dma_wait3A_270 = tpu.memref_squeeze %dma_wait3A_269 : memref<1x120xi32, #tpu.memory_space<vmem>> -> memref<120xi32, #tpu.memory_space<vmem>>
            %dma_wait3A_271 = arith.constant 0 : i32
            %dma_wait3A_272 = arith.constant 0 : i32
            %dma_wait3A_273 = tpu.memref_slice %arg14[%dma_wait3A_271, %dma_wait3A_272] : memref<10112x128xf32, #tpu.memory_space<vmem_shared>> -> memref<10112x128xf32, #tpu.memory_space<vmem_shared>>
            tpu.wait_indirect_dma semaphore(%arg24 : memref<!tpu.dma_semaphore, #tpu.memory_space<semaphore_mem>>) src(%arg11 : memref<120x128xf32, #tpu.memory_space<vmem>>) dst(%dma_wait3A_273 : memref<10112x128xf32, #tpu.memory_space<vmem_shared>>)
          } else {
          }
          %add3A_239 = arith.constant 4 : i32
          %add3A_240 = arith.addi %scan3A_114, %add3A_239 : i32
          %lt3A_241 = arith.constant 117 : i32
          %lt3A_242 = arith.cmpi slt, %add3A_240, %lt3A_241 : i32
          %convert_element_type3A_243 = arith.extui %lt3A_242 : i1 to i32
          %cond3A_244 = arith.constant 0 : i32
          %cond3A_245 = arith.cmpi ne, %convert_element_type3A_243, %cond3A_244 : i32
          scf.if %cond3A_245 {
            %add3A_267 = arith.addi %mul3A_40, %scan3A_114 : i32
            %add3A_268 = arith.constant 4 : i32
            %add3A_269 = arith.addi %add3A_267, %add3A_268 : i32
            %dma_start3A_270 = arith.constant 0 : i32
            %dma_start3A_271 = arith.constant 0 : i32
            %dma_start3A_272 = tpu.memref_slice %arg3[%add3A_269, %dma_start3A_270, %dma_start3A_271] : memref<2672x2x120xi32, #tpu.memory_space<hbm>> -> memref<1x2x120xi32, #tpu.memory_space<hbm>>
            %dma_start3A_273 = tpu.memref_squeeze %dma_start3A_272 : memref<1x2x120xi32, #tpu.memory_space<hbm>> -> memref<2x120xi32, #tpu.memory_space<hbm>>
            %dma_start3A_274 = arith.constant 0 : i32
            %dma_start3A_275 = arith.constant 0 : i32
            %dma_start3A_276 = tpu.memref_slice %arg3[%add3A_269, %dma_start3A_274, %dma_start3A_275] : memref<2672x2x120xi32, #tpu.memory_space<hbm>> -> memref<1x2x120xi32, #tpu.memory_space<hbm>>
            %dma_start3A_277 = tpu.memref_squeeze %dma_start3A_276 : memref<1x2x120xi32, #tpu.memory_space<hbm>> -> memref<2x120xi32, #tpu.memory_space<hbm>>
            tpu.enqueue_dma source(%dma_start3A_277 : memref<2x120xi32, #tpu.memory_space<hbm>>) target(%arg8 : memref<2x120xi32, #tpu.memory_space<vmem>>) target_semaphore(%arg18 : memref<!tpu.dma_semaphore, #tpu.memory_space<semaphore_mem>>)
          } else {
          }
          %add3A_246 = arith.constant 1 : i32
          %add3A_247 = arith.addi %scan3A_114, %add3A_246 : i32
          %lt3A_248 = arith.constant 117 : i32
          %lt3A_249 = arith.cmpi slt, %add3A_247, %lt3A_248 : i32
          %convert_element_type3A_250 = arith.extui %lt3A_249 : i1 to i32
          %cond3A_251 = arith.constant 0 : i32
          %cond3A_252 = arith.cmpi ne, %convert_element_type3A_250, %cond3A_251 : i32
          scf.if %cond3A_252 {
            %add3A_267 = arith.addi %mul3A_40, %scan3A_114 : i32
            %add3A_268 = arith.constant 1 : i32
            %add3A_269 = arith.addi %add3A_267, %add3A_268 : i32
            %dma_wait3A_270 = arith.constant 0 : i32
            %dma_wait3A_271 = arith.constant 0 : i32
            %dma_wait3A_272 = tpu.memref_slice %arg3[%add3A_269, %dma_wait3A_270, %dma_wait3A_271] : memref<2672x2x120xi32, #tpu.memory_space<hbm>> -> memref<1x2x120xi32, #tpu.memory_space<hbm>>
            %dma_wait3A_273 = tpu.memref_squeeze %dma_wait3A_272 : memref<1x2x120xi32, #tpu.memory_space<hbm>> -> memref<2x120xi32, #tpu.memory_space<hbm>>
            %dma_wait3A_274 = arith.constant 0 : i32
            %dma_wait3A_275 = arith.constant 0 : i32
            %dma_wait3A_276 = tpu.memref_slice %arg3[%add3A_269, %dma_wait3A_274, %dma_wait3A_275] : memref<2672x2x120xi32, #tpu.memory_space<hbm>> -> memref<1x2x120xi32, #tpu.memory_space<hbm>>
            %dma_wait3A_277 = tpu.memref_squeeze %dma_wait3A_276 : memref<1x2x120xi32, #tpu.memory_space<hbm>> -> memref<2x120xi32, #tpu.memory_space<hbm>>
            tpu.wait_dma2 semaphore(%arg15 : memref<!tpu.dma_semaphore, #tpu.memory_space<semaphore_mem>>) src(%dma_wait3A_277 : memref<2x120xi32, #tpu.memory_space<hbm>>) dst(%arg5 : memref<2x120xi32, #tpu.memory_space<vmem>>)
            %dma_start3A_278 = arith.constant 0 : i32
            %dma_start3A_279 = arith.constant 0 : i32
            %dma_start3A_280 = tpu.memref_slice %arg5[%dma_start3A_278, %dma_start3A_279] : memref<2x120xi32, #tpu.memory_space<vmem>> -> memref<1x120xi32, #tpu.memory_space<vmem>>
            %dma_start3A_281 = tpu.memref_squeeze %dma_start3A_280 : memref<1x120xi32, #tpu.memory_space<vmem>> -> memref<120xi32, #tpu.memory_space<vmem>>
            %dma_start3A_282 = arith.constant 0 : i32
            %dma_start3A_283 = arith.constant 0 : i32
            %dma_start3A_284 = tpu.memref_slice %arg2[%dma_start3A_282, %dma_start3A_283] : memref<10000x128xf32, #tpu.memory_space<hbm>> -> memref<10000x128xf32, #tpu.memory_space<hbm>>
            tpu.enqueue_indirect_dma source(%dma_start3A_284 : memref<10000x128xf32, #tpu.memory_space<hbm>>) target(%arg11 : memref<120x128xf32, #tpu.memory_space<vmem>>) offsets(%dma_start3A_281 : memref<120xi32, #tpu.memory_space<vmem>>) semaphore(%arg21 : memref<!tpu.dma_semaphore, #tpu.memory_space<semaphore_mem>>)
          } else {
          }
          %dma_wait3A_253 = arith.constant 0 : i32
          %dma_wait3A_254 = arith.constant 0 : i32
          %dma_wait3A_255 = tpu.memref_slice %arg10[%dma_wait3A_253, %dma_wait3A_254] : memref<2x120xi32, #tpu.memory_space<vmem>> -> memref<1x120xi32, #tpu.memory_space<vmem>>
          %dma_wait3A_256 = tpu.memref_squeeze %dma_wait3A_255 : memref<1x120xi32, #tpu.memory_space<vmem>> -> memref<120xi32, #tpu.memory_space<vmem>>
          %dma_wait3A_257 = arith.constant 0 : i32
          %dma_wait3A_258 = arith.constant 0 : i32
          %dma_wait3A_259 = tpu.memref_slice %arg2[%dma_wait3A_257, %dma_wait3A_258] : memref<10000x128xf32, #tpu.memory_space<hbm>> -> memref<10000x128xf32, #tpu.memory_space<hbm>>
          tpu.wait_indirect_dma semaphore(%arg23 : memref<!tpu.dma_semaphore, #tpu.memory_space<semaphore_mem>>) src(%dma_wait3A_259 : memref<10000x128xf32, #tpu.memory_space<hbm>>) dst(%arg13 : memref<120x128xf32, #tpu.memory_space<vmem>>)
          %dma_start3A_260 = arith.constant 1 : i32
          %dma_start3A_261 = arith.constant 0 : i32
          %dma_start3A_262 = tpu.memref_slice %arg10[%dma_start3A_260, %dma_start3A_261] : memref<2x120xi32, #tpu.memory_space<vmem>> -> memref<1x120xi32, #tpu.memory_space<vmem>>
          %dma_start3A_263 = tpu.memref_squeeze %dma_start3A_262 : memref<1x120xi32, #tpu.memory_space<vmem>> -> memref<120xi32, #tpu.memory_space<vmem>>
          %dma_start3A_264 = arith.constant 0 : i32
          %dma_start3A_265 = arith.constant 0 : i32
          %dma_start3A_266 = tpu.memref_slice %arg14[%dma_start3A_264, %dma_start3A_265] : memref<10112x128xf32, #tpu.memory_space<vmem_shared>> -> memref<10112x128xf32, #tpu.memory_space<vmem_shared>>
          tpu.enqueue_indirect_dma source(%arg13 : memref<120x128xf32, #tpu.memory_space<vmem>>) target(%dma_start3A_266 : memref<10112x128xf32, #tpu.memory_space<vmem_shared>>) offsets(%dma_start3A_263 : memref<120xi32, #tpu.memory_space<vmem>>) semaphore(%arg26 : memref<!tpu.dma_semaphore, #tpu.memory_space<semaphore_mem>>) {add = true}
        } else {
        }
      }
      %scan3A_99 = arith.constant 117 : i32
      %dma_wait3A_100 = arith.constant 1 : i32
      %dma_wait3A_101 = arith.constant 0 : i32
      %dma_wait3A_102 = tpu.memref_slice %arg6[%dma_wait3A_100, %dma_wait3A_101] : memref<2x120xi32, #tpu.memory_space<vmem>> -> memref<1x120xi32, #tpu.memory_space<vmem>>
      %dma_wait3A_103 = tpu.memref_squeeze %dma_wait3A_102 : memref<1x120xi32, #tpu.memory_space<vmem>> -> memref<120xi32, #tpu.memory_space<vmem>>
      %dma_wait3A_104 = arith.constant 0 : i32
      %dma_wait3A_105 = arith.constant 0 : i32
      %dma_wait3A_106 = tpu.memref_slice %arg14[%dma_wait3A_104, %dma_wait3A_105] : memref<10112x128xf32, #tpu.memory_space<vmem_shared>> -> memref<10112x128xf32, #tpu.memory_space<vmem_shared>>
      tpu.wait_indirect_dma semaphore(%arg25 : memref<!tpu.dma_semaphore, #tpu.memory_space<semaphore_mem>>) src(%arg12 : memref<120x128xf32, #tpu.memory_space<vmem>>) dst(%dma_wait3A_106 : memref<10112x128xf32, #tpu.memory_space<vmem_shared>>)
      %dma_wait3A_107 = arith.constant 1 : i32
      %dma_wait3A_108 = arith.constant 0 : i32
      %dma_wait3A_109 = tpu.memref_slice %arg7[%dma_wait3A_107, %dma_wait3A_108] : memref<2x120xi32, #tpu.memory_space<vmem>> -> memref<1x120xi32, #tpu.memory_space<vmem>>
      %dma_wait3A_110 = tpu.memref_squeeze %dma_wait3A_109 : memref<1x120xi32, #tpu.memory_space<vmem>> -> memref<120xi32, #tpu.memory_space<vmem>>
      %dma_wait3A_111 = arith.constant 0 : i32
      %dma_wait3A_112 = arith.constant 0 : i32
      %dma_wait3A_113 = tpu.memref_slice %arg14[%dma_wait3A_111, %dma_wait3A_112] : memref<10112x128xf32, #tpu.memory_space<vmem_shared>> -> memref<10112x128xf32, #tpu.memory_space<vmem_shared>>
      tpu.wait_indirect_dma semaphore(%arg26 : memref<!tpu.dma_semaphore, #tpu.memory_space<semaphore_mem>>) src(%arg13 : memref<120x128xf32, #tpu.memory_space<vmem>>) dst(%dma_wait3A_113 : memref<10112x128xf32, #tpu.memory_space<vmem_shared>>)
    } else {
    }
    %eq3A_29 = arith.constant 1 : i32
    %eq3A_30 = arith.cmpi eq, %arg0, %eq3A_29 : i32
    %convert_element_type3A_31 = arith.extui %eq3A_30 : i1 to i32
    %cond3A_32 = arith.constant 0 : i32
    %cond3A_33 = arith.cmpi ne, %convert_element_type3A_31, %cond3A_32 : i32
    scf.if %cond3A_33 {
      %mul3A_39 = arith.constant 50 : i32
      %mul3A_40 = arith.muli %arg1, %mul3A_39 : i32
      %add3A_41 = arith.constant 1872 : i32
      %add3A_42 = arith.addi %add3A_41, %mul3A_40 : i32
      %add3A_43 = arith.constant 0 : i32
      %add3A_44 = arith.addi %add3A_42, %add3A_43 : i32
      %dma_start3A = arith.constant 0 : i32
      %dma_start3A_45 = arith.constant 0 : i32
      %dma_start3A_46 = tpu.memref_slice %arg3[%add3A_44, %dma_start3A, %dma_start3A_45] : memref<2672x2x120xi32, #tpu.memory_space<hbm>> -> memref<1x2x120xi32, #tpu.memory_space<hbm>>
      %dma_start3A_47 = tpu.memref_squeeze %dma_start3A_46 : memref<1x2x120xi32, #tpu.memory_space<hbm>> -> memref<2x120xi32, #tpu.memory_space<hbm>>
      %dma_start3A_48 = arith.constant 0 : i32
      %dma_start3A_49 = arith.constant 0 : i32
      %dma_start3A_50 = tpu.memref_slice %arg3[%add3A_44, %dma_start3A_48, %dma_start3A_49] : memref<2672x2x120xi32, #tpu.memory_space<hbm>> -> memref<1x2x120xi32, #tpu.memory_space<hbm>>
      %dma_start3A_51 = tpu.memref_squeeze %dma_start3A_50 : memref<1x2x120xi32, #tpu.memory_space<hbm>> -> memref<2x120xi32, #tpu.memory_space<hbm>>
      tpu.enqueue_dma source(%dma_start3A_51 : memref<2x120xi32, #tpu.memory_space<hbm>>) target(%arg5 : memref<2x120xi32, #tpu.memory_space<vmem>>) target_semaphore(%arg15 : memref<!tpu.dma_semaphore, #tpu.memory_space<semaphore_mem>>)
      %add3A_52 = arith.constant 1 : i32
      %add3A_53 = arith.addi %add3A_42, %add3A_52 : i32
      %dma_start3A_54 = arith.constant 0 : i32
      %dma_start3A_55 = arith.constant 0 : i32
      %dma_start3A_56 = tpu.memref_slice %arg3[%add3A_53, %dma_start3A_54, %dma_start3A_55] : memref<2672x2x120xi32, #tpu.memory_space<hbm>> -> memref<1x2x120xi32, #tpu.memory_space<hbm>>
      %dma_start3A_57 = tpu.memref_squeeze %dma_start3A_56 : memref<1x2x120xi32, #tpu.memory_space<hbm>> -> memref<2x120xi32, #tpu.memory_space<hbm>>
      %dma_start3A_58 = arith.constant 0 : i32
      %dma_start3A_59 = arith.constant 0 : i32
      %dma_start3A_60 = tpu.memref_slice %arg3[%add3A_53, %dma_start3A_58, %dma_start3A_59] : memref<2672x2x120xi32, #tpu.memory_space<hbm>> -> memref<1x2x120xi32, #tpu.memory_space<hbm>>
      %dma_start3A_61 = tpu.memref_squeeze %dma_start3A_60 : memref<1x2x120xi32, #tpu.memory_space<hbm>> -> memref<2x120xi32, #tpu.memory_space<hbm>>
      tpu.enqueue_dma source(%dma_start3A_61 : memref<2x120xi32, #tpu.memory_space<hbm>>) target(%arg6 : memref<2x120xi32, #tpu.memory_space<vmem>>) target_semaphore(%arg16 : memref<!tpu.dma_semaphore, #tpu.memory_space<semaphore_mem>>)
      %add3A_62 = arith.constant 2 : i32
      %add3A_63 = arith.addi %add3A_42, %add3A_62 : i32
      %dma_start3A_64 = arith.constant 0 : i32
      %dma_start3A_65 = arith.constant 0 : i32
      %dma_start3A_66 = tpu.memref_slice %arg3[%add3A_63, %dma_start3A_64, %dma_start3A_65] : memref<2672x2x120xi32, #tpu.memory_space<hbm>> -> memref<1x2x120xi32, #tpu.memory_space<hbm>>
      %dma_start3A_67 = tpu.memref_squeeze %dma_start3A_66 : memref<1x2x120xi32, #tpu.memory_space<hbm>> -> memref<2x120xi32, #tpu.memory_space<hbm>>
      %dma_start3A_68 = arith.constant 0 : i32
      %dma_start3A_69 = arith.constant 0 : i32
      %dma_start3A_70 = tpu.memref_slice %arg3[%add3A_63, %dma_start3A_68, %dma_start3A_69] : memref<2672x2x120xi32, #tpu.memory_space<hbm>> -> memref<1x2x120xi32, #tpu.memory_space<hbm>>
      %dma_start3A_71 = tpu.memref_squeeze %dma_start3A_70 : memref<1x2x120xi32, #tpu.memory_space<hbm>> -> memref<2x120xi32, #tpu.memory_space<hbm>>
      tpu.enqueue_dma source(%dma_start3A_71 : memref<2x120xi32, #tpu.memory_space<hbm>>) target(%arg7 : memref<2x120xi32, #tpu.memory_space<vmem>>) target_semaphore(%arg17 : memref<!tpu.dma_semaphore, #tpu.memory_space<semaphore_mem>>)
      %add3A_72 = arith.constant 3 : i32
      %add3A_73 = arith.addi %add3A_42, %add3A_72 : i32
      %dma_start3A_74 = arith.constant 0 : i32
      %dma_start3A_75 = arith.constant 0 : i32
      %dma_start3A_76 = tpu.memref_slice %arg3[%add3A_73, %dma_start3A_74, %dma_start3A_75] : memref<2672x2x120xi32, #tpu.memory_space<hbm>> -> memref<1x2x120xi32, #tpu.memory_space<hbm>>
      %dma_start3A_77 = tpu.memref_squeeze %dma_start3A_76 : memref<1x2x120xi32, #tpu.memory_space<hbm>> -> memref<2x120xi32, #tpu.memory_space<hbm>>
      %dma_start3A_78 = arith.constant 0 : i32
      %dma_start3A_79 = arith.constant 0 : i32
      %dma_start3A_80 = tpu.memref_slice %arg3[%add3A_73, %dma_start3A_78, %dma_start3A_79] : memref<2672x2x120xi32, #tpu.memory_space<hbm>> -> memref<1x2x120xi32, #tpu.memory_space<hbm>>
      %dma_start3A_81 = tpu.memref_squeeze %dma_start3A_80 : memref<1x2x120xi32, #tpu.memory_space<hbm>> -> memref<2x120xi32, #tpu.memory_space<hbm>>
      tpu.enqueue_dma source(%dma_start3A_81 : memref<2x120xi32, #tpu.memory_space<hbm>>) target(%arg8 : memref<2x120xi32, #tpu.memory_space<vmem>>) target_semaphore(%arg18 : memref<!tpu.dma_semaphore, #tpu.memory_space<semaphore_mem>>)
      %dma_wait3A = arith.constant 0 : i32
      %dma_wait3A_82 = arith.constant 0 : i32
      %dma_wait3A_83 = tpu.memref_slice %arg3[%add3A_42, %dma_wait3A, %dma_wait3A_82] : memref<2672x2x120xi32, #tpu.memory_space<hbm>> -> memref<1x2x120xi32, #tpu.memory_space<hbm>>
      %dma_wait3A_84 = tpu.memref_squeeze %dma_wait3A_83 : memref<1x2x120xi32, #tpu.memory_space<hbm>> -> memref<2x120xi32, #tpu.memory_space<hbm>>
      %dma_wait3A_85 = arith.constant 0 : i32
      %dma_wait3A_86 = arith.constant 0 : i32
      %dma_wait3A_87 = tpu.memref_slice %arg3[%add3A_42, %dma_wait3A_85, %dma_wait3A_86] : memref<2672x2x120xi32, #tpu.memory_space<hbm>> -> memref<1x2x120xi32, #tpu.memory_space<hbm>>
      %dma_wait3A_88 = tpu.memref_squeeze %dma_wait3A_87 : memref<1x2x120xi32, #tpu.memory_space<hbm>> -> memref<2x120xi32, #tpu.memory_space<hbm>>
      tpu.wait_dma2 semaphore(%arg15 : memref<!tpu.dma_semaphore, #tpu.memory_space<semaphore_mem>>) src(%dma_wait3A_88 : memref<2x120xi32, #tpu.memory_space<hbm>>) dst(%arg5 : memref<2x120xi32, #tpu.memory_space<vmem>>)
      %dma_start3A_89 = arith.constant 0 : i32
      %dma_start3A_90 = arith.constant 0 : i32
      %dma_start3A_91 = tpu.memref_slice %arg5[%dma_start3A_89, %dma_start3A_90] : memref<2x120xi32, #tpu.memory_space<vmem>> -> memref<1x120xi32, #tpu.memory_space<vmem>>
      %dma_start3A_92 = tpu.memref_squeeze %dma_start3A_91 : memref<1x120xi32, #tpu.memory_space<vmem>> -> memref<120xi32, #tpu.memory_space<vmem>>
      %dma_start3A_93 = arith.constant 0 : i32
      %dma_start3A_94 = arith.constant 0 : i32
      %dma_start3A_95 = tpu.memref_slice %arg2[%dma_start3A_93, %dma_start3A_94] : memref<10000x128xf32, #tpu.memory_space<hbm>> -> memref<10000x128xf32, #tpu.memory_space<hbm>>
      tpu.enqueue_indirect_dma source(%dma_start3A_95 : memref<10000x128xf32, #tpu.memory_space<hbm>>) target(%arg11 : memref<120x128xf32, #tpu.memory_space<vmem>>) offsets(%dma_start3A_92 : memref<120xi32, #tpu.memory_space<vmem>>) semaphore(%arg21 : memref<!tpu.dma_semaphore, #tpu.memory_space<semaphore_mem>>)
      %scan3A_96 = arith.constant 0 : i32
      %scan3A_97 = arith.constant 0 : i32
      %scan3A_98 = arith.constant 50 : i32
      %scan3A_99 = arith.addi %scan3A_97, %scan3A_98 : i32
      %scan3A_100 = arith.constant 1 : i32
      scf.for %scan3A_116 = %scan3A_97 to %scan3A_99 step %scan3A_100  : i32 {
        %jit3A = arith.constant 6 : i32
        %eq3A_117 = arith.constant 0 : i32
        %eq3A_118 = arith.cmpi eq, %jit3A, %eq3A_117 : i32
        %jit3A_119 = arith.constant 1 : i32
        %select_n3A = arith.select %eq3A_118, %jit3A_119, %jit3A : i32
        %rem3A = arith.remsi %scan3A_116, %select_n3A : i32
        %ne3A = arith.constant 0 : i32
        %ne3A_120 = arith.cmpi ne, %rem3A, %ne3A : i32
        %lt3A = arith.constant 0 : i32
        %lt3A_121 = arith.cmpi slt, %rem3A, %lt3A : i32
        %lt3A_122 = arith.constant 0 : i32
        %lt3A_123 = arith.cmpi slt, %select_n3A, %lt3A_122 : i32
        %ne3A_124 = arith.xori %lt3A_121, %lt3A_123 : i1
        %and3A = arith.andi %ne3A_124, %ne3A_120 : i1
        %add3A_125 = arith.addi %rem3A, %select_n3A : i32
        %select_n3A_126 = arith.select %and3A, %add3A_125, %rem3A : i32
        %eq3A_127 = arith.constant 0 : i32
        %eq3A_128 = arith.cmpi eq, %select_n3A_126, %eq3A_127 : i32
        %convert_element_type3A_129 = arith.extui %eq3A_128 : i1 to i32
        %cond3A_130 = arith.constant 0 : i32
        %cond3A_131 = arith.cmpi ne, %convert_element_type3A_129, %cond3A_130 : i32
        scf.if %cond3A_131 {
          %ge3A = arith.constant 2 : i32
          %ge3A_237 = arith.cmpi sge, %scan3A_116, %ge3A : i32
          %convert_element_type3A_238 = arith.extui %ge3A_237 : i1 to i32
          %cond3A_239 = arith.constant 0 : i32
          %cond3A_240 = arith.cmpi ne, %convert_element_type3A_238, %cond3A_239 : i32
          scf.if %cond3A_240 {
            %dma_wait3A_269 = arith.constant 1 : i32
            %dma_wait3A_270 = arith.constant 0 : i32
            %dma_wait3A_271 = tpu.memref_slice %arg9[%dma_wait3A_269, %dma_wait3A_270] : memref<2x120xi32, #tpu.memory_space<vmem>> -> memref<1x120xi32, #tpu.memory_space<vmem>>
            %dma_wait3A_272 = tpu.memref_squeeze %dma_wait3A_271 : memref<1x120xi32, #tpu.memory_space<vmem>> -> memref<120xi32, #tpu.memory_space<vmem>>
            %dma_wait3A_273 = arith.constant 0 : i32
            %dma_wait3A_274 = arith.constant 0 : i32
            %dma_wait3A_275 = tpu.memref_slice %arg14[%dma_wait3A_273, %dma_wait3A_274] : memref<10112x128xf32, #tpu.memory_space<vmem_shared>> -> memref<10112x128xf32, #tpu.memory_space<vmem_shared>>
            tpu.wait_indirect_dma semaphore(%arg25 : memref<!tpu.dma_semaphore, #tpu.memory_space<semaphore_mem>>) src(%arg12 : memref<120x128xf32, #tpu.memory_space<vmem>>) dst(%dma_wait3A_275 : memref<10112x128xf32, #tpu.memory_space<vmem_shared>>)
          } else {
          }
          %add3A_241 = arith.constant 4 : i32
          %add3A_242 = arith.addi %scan3A_116, %add3A_241 : i32
          %lt3A_243 = arith.constant 50 : i32
          %lt3A_244 = arith.cmpi slt, %add3A_242, %lt3A_243 : i32
          %convert_element_type3A_245 = arith.extui %lt3A_244 : i1 to i32
          %cond3A_246 = arith.constant 0 : i32
          %cond3A_247 = arith.cmpi ne, %convert_element_type3A_245, %cond3A_246 : i32
          scf.if %cond3A_247 {
            %add3A_269 = arith.addi %add3A_42, %scan3A_116 : i32
            %add3A_270 = arith.constant 4 : i32
            %add3A_271 = arith.addi %add3A_269, %add3A_270 : i32
            %dma_start3A_272 = arith.constant 0 : i32
            %dma_start3A_273 = arith.constant 0 : i32
            %dma_start3A_274 = tpu.memref_slice %arg3[%add3A_271, %dma_start3A_272, %dma_start3A_273] : memref<2672x2x120xi32, #tpu.memory_space<hbm>> -> memref<1x2x120xi32, #tpu.memory_space<hbm>>
            %dma_start3A_275 = tpu.memref_squeeze %dma_start3A_274 : memref<1x2x120xi32, #tpu.memory_space<hbm>> -> memref<2x120xi32, #tpu.memory_space<hbm>>
            %dma_start3A_276 = arith.constant 0 : i32
            %dma_start3A_277 = arith.constant 0 : i32
            %dma_start3A_278 = tpu.memref_slice %arg3[%add3A_271, %dma_start3A_276, %dma_start3A_277] : memref<2672x2x120xi32, #tpu.memory_space<hbm>> -> memref<1x2x120xi32, #tpu.memory_space<hbm>>
            %dma_start3A_279 = tpu.memref_squeeze %dma_start3A_278 : memref<1x2x120xi32, #tpu.memory_space<hbm>> -> memref<2x120xi32, #tpu.memory_space<hbm>>
            tpu.enqueue_dma source(%dma_start3A_279 : memref<2x120xi32, #tpu.memory_space<hbm>>) target(%arg9 : memref<2x120xi32, #tpu.memory_space<vmem>>) target_semaphore(%arg19 : memref<!tpu.dma_semaphore, #tpu.memory_space<semaphore_mem>>)
          } else {
          }
          %add3A_248 = arith.constant 1 : i32
          %add3A_249 = arith.addi %scan3A_116, %add3A_248 : i32
          %lt3A_250 = arith.constant 50 : i32
          %lt3A_251 = arith.cmpi slt, %add3A_249, %lt3A_250 : i32
          %convert_element_type3A_252 = arith.extui %lt3A_251 : i1 to i32
          %cond3A_253 = arith.constant 0 : i32
          %cond3A_254 = arith.cmpi ne, %convert_element_type3A_252, %cond3A_253 : i32
          scf.if %cond3A_254 {
            %add3A_269 = arith.addi %add3A_42, %scan3A_116 : i32
            %add3A_270 = arith.constant 1 : i32
            %add3A_271 = arith.addi %add3A_269, %add3A_270 : i32
            %dma_wait3A_272 = arith.constant 0 : i32
            %dma_wait3A_273 = arith.constant 0 : i32
            %dma_wait3A_274 = tpu.memref_slice %arg3[%add3A_271, %dma_wait3A_272, %dma_wait3A_273] : memref<2672x2x120xi32, #tpu.memory_space<hbm>> -> memref<1x2x120xi32, #tpu.memory_space<hbm>>
            %dma_wait3A_275 = tpu.memref_squeeze %dma_wait3A_274 : memref<1x2x120xi32, #tpu.memory_space<hbm>> -> memref<2x120xi32, #tpu.memory_space<hbm>>
            %dma_wait3A_276 = arith.constant 0 : i32
            %dma_wait3A_277 = arith.constant 0 : i32
            %dma_wait3A_278 = tpu.memref_slice %arg3[%add3A_271, %dma_wait3A_276, %dma_wait3A_277] : memref<2672x2x120xi32, #tpu.memory_space<hbm>> -> memref<1x2x120xi32, #tpu.memory_space<hbm>>
            %dma_wait3A_279 = tpu.memref_squeeze %dma_wait3A_278 : memref<1x2x120xi32, #tpu.memory_space<hbm>> -> memref<2x120xi32, #tpu.memory_space<hbm>>
            tpu.wait_dma2 semaphore(%arg16 : memref<!tpu.dma_semaphore, #tpu.memory_space<semaphore_mem>>) src(%dma_wait3A_279 : memref<2x120xi32, #tpu.memory_space<hbm>>) dst(%arg6 : memref<2x120xi32, #tpu.memory_space<vmem>>)
            %dma_start3A_280 = arith.constant 0 : i32
            %dma_start3A_281 = arith.constant 0 : i32
            %dma_start3A_282 = tpu.memref_slice %arg6[%dma_start3A_280, %dma_start3A_281] : memref<2x120xi32, #tpu.memory_space<vmem>> -> memref<1x120xi32, #tpu.memory_space<vmem>>
            %dma_start3A_283 = tpu.memref_squeeze %dma_start3A_282 : memref<1x120xi32, #tpu.memory_space<vmem>> -> memref<120xi32, #tpu.memory_space<vmem>>
            %dma_start3A_284 = arith.constant 0 : i32
            %dma_start3A_285 = arith.constant 0 : i32
            %dma_start3A_286 = tpu.memref_slice %arg2[%dma_start3A_284, %dma_start3A_285] : memref<10000x128xf32, #tpu.memory_space<hbm>> -> memref<10000x128xf32, #tpu.memory_space<hbm>>
            tpu.enqueue_indirect_dma source(%dma_start3A_286 : memref<10000x128xf32, #tpu.memory_space<hbm>>) target(%arg12 : memref<120x128xf32, #tpu.memory_space<vmem>>) offsets(%dma_start3A_283 : memref<120xi32, #tpu.memory_space<vmem>>) semaphore(%arg22 : memref<!tpu.dma_semaphore, #tpu.memory_space<semaphore_mem>>)
          } else {
          }
          %dma_wait3A_255 = arith.constant 0 : i32
          %dma_wait3A_256 = arith.constant 0 : i32
          %dma_wait3A_257 = tpu.memref_slice %arg5[%dma_wait3A_255, %dma_wait3A_256] : memref<2x120xi32, #tpu.memory_space<vmem>> -> memref<1x120xi32, #tpu.memory_space<vmem>>
          %dma_wait3A_258 = tpu.memref_squeeze %dma_wait3A_257 : memref<1x120xi32, #tpu.memory_space<vmem>> -> memref<120xi32, #tpu.memory_space<vmem>>
          %dma_wait3A_259 = arith.constant 0 : i32
          %dma_wait3A_260 = arith.constant 0 : i32
          %dma_wait3A_261 = tpu.memref_slice %arg2[%dma_wait3A_259, %dma_wait3A_260] : memref<10000x128xf32, #tpu.memory_space<hbm>> -> memref<10000x128xf32, #tpu.memory_space<hbm>>
          tpu.wait_indirect_dma semaphore(%arg21 : memref<!tpu.dma_semaphore, #tpu.memory_space<semaphore_mem>>) src(%dma_wait3A_261 : memref<10000x128xf32, #tpu.memory_space<hbm>>) dst(%arg11 : memref<120x128xf32, #tpu.memory_space<vmem>>)
          %dma_start3A_262 = arith.constant 1 : i32
          %dma_start3A_263 = arith.constant 0 : i32
          %dma_start3A_264 = tpu.memref_slice %arg5[%dma_start3A_262, %dma_start3A_263] : memref<2x120xi32, #tpu.memory_space<vmem>> -> memref<1x120xi32, #tpu.memory_space<vmem>>
          %dma_start3A_265 = tpu.memref_squeeze %dma_start3A_264 : memref<1x120xi32, #tpu.memory_space<vmem>> -> memref<120xi32, #tpu.memory_space<vmem>>
          %dma_start3A_266 = arith.constant 0 : i32
          %dma_start3A_267 = arith.constant 0 : i32
          %dma_start3A_268 = tpu.memref_slice %arg14[%dma_start3A_266, %dma_start3A_267] : memref<10112x128xf32, #tpu.memory_space<vmem_shared>> -> memref<10112x128xf32, #tpu.memory_space<vmem_shared>>
          tpu.enqueue_indirect_dma source(%arg11 : memref<120x128xf32, #tpu.memory_space<vmem>>) target(%dma_start3A_268 : memref<10112x128xf32, #tpu.memory_space<vmem_shared>>) offsets(%dma_start3A_265 : memref<120xi32, #tpu.memory_space<vmem>>) semaphore(%arg24 : memref<!tpu.dma_semaphore, #tpu.memory_space<semaphore_mem>>) {add = true}
        } else {
        }
        %jit3A_132 = arith.constant 6 : i32
        %eq3A_133 = arith.constant 0 : i32
        %eq3A_134 = arith.cmpi eq, %jit3A_132, %eq3A_133 : i32
        %jit3A_135 = arith.constant 1 : i32
        %select_n3A_136 = arith.select %eq3A_134, %jit3A_135, %jit3A_132 : i32
        %rem3A_137 = arith.remsi %scan3A_116, %select_n3A_136 : i32
        %ne3A_138 = arith.constant 0 : i32
        %ne3A_139 = arith.cmpi ne, %rem3A_137, %ne3A_138 : i32
        %lt3A_140 = arith.constant 0 : i32
        %lt3A_141 = arith.cmpi slt, %rem3A_137, %lt3A_140 : i32
        %lt3A_142 = arith.constant 0 : i32
        %lt3A_143 = arith.cmpi slt, %select_n3A_136, %lt3A_142 : i32
        %ne3A_144 = arith.xori %lt3A_141, %lt3A_143 : i1
        %and3A_145 = arith.andi %ne3A_144, %ne3A_139 : i1
        %add3A_146 = arith.addi %rem3A_137, %select_n3A_136 : i32
        %select_n3A_147 = arith.select %and3A_145, %add3A_146, %rem3A_137 : i32
        %eq3A_148 = arith.constant 1 : i32
        %eq3A_149 = arith.cmpi eq, %select_n3A_147, %eq3A_148 : i32
        %convert_element_type3A_150 = arith.extui %eq3A_149 : i1 to i32
        %cond3A_151 = arith.constant 0 : i32
        %cond3A_152 = arith.cmpi ne, %convert_element_type3A_150, %cond3A_151 : i32
        scf.if %cond3A_152 {
          %ge3A = arith.constant 2 : i32
          %ge3A_237 = arith.cmpi sge, %scan3A_116, %ge3A : i32
          %convert_element_type3A_238 = arith.extui %ge3A_237 : i1 to i32
          %cond3A_239 = arith.constant 0 : i32
          %cond3A_240 = arith.cmpi ne, %convert_element_type3A_238, %cond3A_239 : i32
          scf.if %cond3A_240 {
            %dma_wait3A_269 = arith.constant 1 : i32
            %dma_wait3A_270 = arith.constant 0 : i32
            %dma_wait3A_271 = tpu.memref_slice %arg10[%dma_wait3A_269, %dma_wait3A_270] : memref<2x120xi32, #tpu.memory_space<vmem>> -> memref<1x120xi32, #tpu.memory_space<vmem>>
            %dma_wait3A_272 = tpu.memref_squeeze %dma_wait3A_271 : memref<1x120xi32, #tpu.memory_space<vmem>> -> memref<120xi32, #tpu.memory_space<vmem>>
            %dma_wait3A_273 = arith.constant 0 : i32
            %dma_wait3A_274 = arith.constant 0 : i32
            %dma_wait3A_275 = tpu.memref_slice %arg14[%dma_wait3A_273, %dma_wait3A_274] : memref<10112x128xf32, #tpu.memory_space<vmem_shared>> -> memref<10112x128xf32, #tpu.memory_space<vmem_shared>>
            tpu.wait_indirect_dma semaphore(%arg26 : memref<!tpu.dma_semaphore, #tpu.memory_space<semaphore_mem>>) src(%arg13 : memref<120x128xf32, #tpu.memory_space<vmem>>) dst(%dma_wait3A_275 : memref<10112x128xf32, #tpu.memory_space<vmem_shared>>)
          } else {
          }
          %add3A_241 = arith.constant 4 : i32
          %add3A_242 = arith.addi %scan3A_116, %add3A_241 : i32
          %lt3A_243 = arith.constant 50 : i32
          %lt3A_244 = arith.cmpi slt, %add3A_242, %lt3A_243 : i32
          %convert_element_type3A_245 = arith.extui %lt3A_244 : i1 to i32
          %cond3A_246 = arith.constant 0 : i32
          %cond3A_247 = arith.cmpi ne, %convert_element_type3A_245, %cond3A_246 : i32
          scf.if %cond3A_247 {
            %add3A_269 = arith.addi %add3A_42, %scan3A_116 : i32
            %add3A_270 = arith.constant 4 : i32
            %add3A_271 = arith.addi %add3A_269, %add3A_270 : i32
            %dma_start3A_272 = arith.constant 0 : i32
            %dma_start3A_273 = arith.constant 0 : i32
            %dma_start3A_274 = tpu.memref_slice %arg3[%add3A_271, %dma_start3A_272, %dma_start3A_273] : memref<2672x2x120xi32, #tpu.memory_space<hbm>> -> memref<1x2x120xi32, #tpu.memory_space<hbm>>
            %dma_start3A_275 = tpu.memref_squeeze %dma_start3A_274 : memref<1x2x120xi32, #tpu.memory_space<hbm>> -> memref<2x120xi32, #tpu.memory_space<hbm>>
            %dma_start3A_276 = arith.constant 0 : i32
            %dma_start3A_277 = arith.constant 0 : i32
            %dma_start3A_278 = tpu.memref_slice %arg3[%add3A_271, %dma_start3A_276, %dma_start3A_277] : memref<2672x2x120xi32, #tpu.memory_space<hbm>> -> memref<1x2x120xi32, #tpu.memory_space<hbm>>
            %dma_start3A_279 = tpu.memref_squeeze %dma_start3A_278 : memref<1x2x120xi32, #tpu.memory_space<hbm>> -> memref<2x120xi32, #tpu.memory_space<hbm>>
            tpu.enqueue_dma source(%dma_start3A_279 : memref<2x120xi32, #tpu.memory_space<hbm>>) target(%arg10 : memref<2x120xi32, #tpu.memory_space<vmem>>) target_semaphore(%arg20 : memref<!tpu.dma_semaphore, #tpu.memory_space<semaphore_mem>>)
          } else {
          }
          %add3A_248 = arith.constant 1 : i32
          %add3A_249 = arith.addi %scan3A_116, %add3A_248 : i32
          %lt3A_250 = arith.constant 50 : i32
          %lt3A_251 = arith.cmpi slt, %add3A_249, %lt3A_250 : i32
          %convert_element_type3A_252 = arith.extui %lt3A_251 : i1 to i32
          %cond3A_253 = arith.constant 0 : i32
          %cond3A_254 = arith.cmpi ne, %convert_element_type3A_252, %cond3A_253 : i32
          scf.if %cond3A_254 {
            %add3A_269 = arith.addi %add3A_42, %scan3A_116 : i32
            %add3A_270 = arith.constant 1 : i32
            %add3A_271 = arith.addi %add3A_269, %add3A_270 : i32
            %dma_wait3A_272 = arith.constant 0 : i32
            %dma_wait3A_273 = arith.constant 0 : i32
            %dma_wait3A_274 = tpu.memref_slice %arg3[%add3A_271, %dma_wait3A_272, %dma_wait3A_273] : memref<2672x2x120xi32, #tpu.memory_space<hbm>> -> memref<1x2x120xi32, #tpu.memory_space<hbm>>
            %dma_wait3A_275 = tpu.memref_squeeze %dma_wait3A_274 : memref<1x2x120xi32, #tpu.memory_space<hbm>> -> memref<2x120xi32, #tpu.memory_space<hbm>>
            %dma_wait3A_276 = arith.constant 0 : i32
            %dma_wait3A_277 = arith.constant 0 : i32
            %dma_wait3A_278 = tpu.memref_slice %arg3[%add3A_271, %dma_wait3A_276, %dma_wait3A_277] : memref<2672x2x120xi32, #tpu.memory_space<hbm>> -> memref<1x2x120xi32, #tpu.memory_space<hbm>>
            %dma_wait3A_279 = tpu.memref_squeeze %dma_wait3A_278 : memref<1x2x120xi32, #tpu.memory_space<hbm>> -> memref<2x120xi32, #tpu.memory_space<hbm>>
            tpu.wait_dma2 semaphore(%arg17 : memref<!tpu.dma_semaphore, #tpu.memory_space<semaphore_mem>>) src(%dma_wait3A_279 : memref<2x120xi32, #tpu.memory_space<hbm>>) dst(%arg7 : memref<2x120xi32, #tpu.memory_space<vmem>>)
            %dma_start3A_280 = arith.constant 0 : i32
            %dma_start3A_281 = arith.constant 0 : i32
            %dma_start3A_282 = tpu.memref_slice %arg7[%dma_start3A_280, %dma_start3A_281] : memref<2x120xi32, #tpu.memory_space<vmem>> -> memref<1x120xi32, #tpu.memory_space<vmem>>
            %dma_start3A_283 = tpu.memref_squeeze %dma_start3A_282 : memref<1x120xi32, #tpu.memory_space<vmem>> -> memref<120xi32, #tpu.memory_space<vmem>>
            %dma_start3A_284 = arith.constant 0 : i32
            %dma_start3A_285 = arith.constant 0 : i32
            %dma_start3A_286 = tpu.memref_slice %arg2[%dma_start3A_284, %dma_start3A_285] : memref<10000x128xf32, #tpu.memory_space<hbm>> -> memref<10000x128xf32, #tpu.memory_space<hbm>>
            tpu.enqueue_indirect_dma source(%dma_start3A_286 : memref<10000x128xf32, #tpu.memory_space<hbm>>) target(%arg13 : memref<120x128xf32, #tpu.memory_space<vmem>>) offsets(%dma_start3A_283 : memref<120xi32, #tpu.memory_space<vmem>>) semaphore(%arg23 : memref<!tpu.dma_semaphore, #tpu.memory_space<semaphore_mem>>)
          } else {
          }
          %dma_wait3A_255 = arith.constant 0 : i32
          %dma_wait3A_256 = arith.constant 0 : i32
          %dma_wait3A_257 = tpu.memref_slice %arg6[%dma_wait3A_255, %dma_wait3A_256] : memref<2x120xi32, #tpu.memory_space<vmem>> -> memref<1x120xi32, #tpu.memory_space<vmem>>
          %dma_wait3A_258 = tpu.memref_squeeze %dma_wait3A_257 : memref<1x120xi32, #tpu.memory_space<vmem>> -> memref<120xi32, #tpu.memory_space<vmem>>
          %dma_wait3A_259 = arith.constant 0 : i32
          %dma_wait3A_260 = arith.constant 0 : i32
          %dma_wait3A_261 = tpu.memref_slice %arg2[%dma_wait3A_259, %dma_wait3A_260] : memref<10000x128xf32, #tpu.memory_space<hbm>> -> memref<10000x128xf32, #tpu.memory_space<hbm>>
          tpu.wait_indirect_dma semaphore(%arg22 : memref<!tpu.dma_semaphore, #tpu.memory_space<semaphore_mem>>) src(%dma_wait3A_261 : memref<10000x128xf32, #tpu.memory_space<hbm>>) dst(%arg12 : memref<120x128xf32, #tpu.memory_space<vmem>>)
          %dma_start3A_262 = arith.constant 1 : i32
          %dma_start3A_263 = arith.constant 0 : i32
          %dma_start3A_264 = tpu.memref_slice %arg6[%dma_start3A_262, %dma_start3A_263] : memref<2x120xi32, #tpu.memory_space<vmem>> -> memref<1x120xi32, #tpu.memory_space<vmem>>
          %dma_start3A_265 = tpu.memref_squeeze %dma_start3A_264 : memref<1x120xi32, #tpu.memory_space<vmem>> -> memref<120xi32, #tpu.memory_space<vmem>>
          %dma_start3A_266 = arith.constant 0 : i32
          %dma_start3A_267 = arith.constant 0 : i32
          %dma_start3A_268 = tpu.memref_slice %arg14[%dma_start3A_266, %dma_start3A_267] : memref<10112x128xf32, #tpu.memory_space<vmem_shared>> -> memref<10112x128xf32, #tpu.memory_space<vmem_shared>>
          tpu.enqueue_indirect_dma source(%arg12 : memref<120x128xf32, #tpu.memory_space<vmem>>) target(%dma_start3A_268 : memref<10112x128xf32, #tpu.memory_space<vmem_shared>>) offsets(%dma_start3A_265 : memref<120xi32, #tpu.memory_space<vmem>>) semaphore(%arg25 : memref<!tpu.dma_semaphore, #tpu.memory_space<semaphore_mem>>) {add = true}
        } else {
        }
        %jit3A_153 = arith.constant 6 : i32
        %eq3A_154 = arith.constant 0 : i32
        %eq3A_155 = arith.cmpi eq, %jit3A_153, %eq3A_154 : i32
        %jit3A_156 = arith.constant 1 : i32
        %select_n3A_157 = arith.select %eq3A_155, %jit3A_156, %jit3A_153 : i32
        %rem3A_158 = arith.remsi %scan3A_116, %select_n3A_157 : i32
        %ne3A_159 = arith.constant 0 : i32
        %ne3A_160 = arith.cmpi ne, %rem3A_158, %ne3A_159 : i32
        %lt3A_161 = arith.constant 0 : i32
        %lt3A_162 = arith.cmpi slt, %rem3A_158, %lt3A_161 : i32
        %lt3A_163 = arith.constant 0 : i32
        %lt3A_164 = arith.cmpi slt, %select_n3A_157, %lt3A_163 : i32
        %ne3A_165 = arith.xori %lt3A_162, %lt3A_164 : i1
        %and3A_166 = arith.andi %ne3A_165, %ne3A_160 : i1
        %add3A_167 = arith.addi %rem3A_158, %select_n3A_157 : i32
        %select_n3A_168 = arith.select %and3A_166, %add3A_167, %rem3A_158 : i32
        %eq3A_169 = arith.constant 2 : i32
        %eq3A_170 = arith.cmpi eq, %select_n3A_168, %eq3A_169 : i32
        %convert_element_type3A_171 = arith.extui %eq3A_170 : i1 to i32
        %cond3A_172 = arith.constant 0 : i32
        %cond3A_173 = arith.cmpi ne, %convert_element_type3A_171, %cond3A_172 : i32
        scf.if %cond3A_173 {
          %ge3A = arith.constant 2 : i32
          %ge3A_237 = arith.cmpi sge, %scan3A_116, %ge3A : i32
          %convert_element_type3A_238 = arith.extui %ge3A_237 : i1 to i32
          %cond3A_239 = arith.constant 0 : i32
          %cond3A_240 = arith.cmpi ne, %convert_element_type3A_238, %cond3A_239 : i32
          scf.if %cond3A_240 {
            %dma_wait3A_269 = arith.constant 1 : i32
            %dma_wait3A_270 = arith.constant 0 : i32
            %dma_wait3A_271 = tpu.memref_slice %arg5[%dma_wait3A_269, %dma_wait3A_270] : memref<2x120xi32, #tpu.memory_space<vmem>> -> memref<1x120xi32, #tpu.memory_space<vmem>>
            %dma_wait3A_272 = tpu.memref_squeeze %dma_wait3A_271 : memref<1x120xi32, #tpu.memory_space<vmem>> -> memref<120xi32, #tpu.memory_space<vmem>>
            %dma_wait3A_273 = arith.constant 0 : i32
            %dma_wait3A_274 = arith.constant 0 : i32
            %dma_wait3A_275 = tpu.memref_slice %arg14[%dma_wait3A_273, %dma_wait3A_274] : memref<10112x128xf32, #tpu.memory_space<vmem_shared>> -> memref<10112x128xf32, #tpu.memory_space<vmem_shared>>
            tpu.wait_indirect_dma semaphore(%arg24 : memref<!tpu.dma_semaphore, #tpu.memory_space<semaphore_mem>>) src(%arg11 : memref<120x128xf32, #tpu.memory_space<vmem>>) dst(%dma_wait3A_275 : memref<10112x128xf32, #tpu.memory_space<vmem_shared>>)
          } else {
          }
          %add3A_241 = arith.constant 4 : i32
          %add3A_242 = arith.addi %scan3A_116, %add3A_241 : i32
          %lt3A_243 = arith.constant 50 : i32
          %lt3A_244 = arith.cmpi slt, %add3A_242, %lt3A_243 : i32
          %convert_element_type3A_245 = arith.extui %lt3A_244 : i1 to i32
          %cond3A_246 = arith.constant 0 : i32
          %cond3A_247 = arith.cmpi ne, %convert_element_type3A_245, %cond3A_246 : i32
          scf.if %cond3A_247 {
            %add3A_269 = arith.addi %add3A_42, %scan3A_116 : i32
            %add3A_270 = arith.constant 4 : i32
            %add3A_271 = arith.addi %add3A_269, %add3A_270 : i32
            %dma_start3A_272 = arith.constant 0 : i32
            %dma_start3A_273 = arith.constant 0 : i32
            %dma_start3A_274 = tpu.memref_slice %arg3[%add3A_271, %dma_start3A_272, %dma_start3A_273] : memref<2672x2x120xi32, #tpu.memory_space<hbm>> -> memref<1x2x120xi32, #tpu.memory_space<hbm>>
            %dma_start3A_275 = tpu.memref_squeeze %dma_start3A_274 : memref<1x2x120xi32, #tpu.memory_space<hbm>> -> memref<2x120xi32, #tpu.memory_space<hbm>>
            %dma_start3A_276 = arith.constant 0 : i32
            %dma_start3A_277 = arith.constant 0 : i32
            %dma_start3A_278 = tpu.memref_slice %arg3[%add3A_271, %dma_start3A_276, %dma_start3A_277] : memref<2672x2x120xi32, #tpu.memory_space<hbm>> -> memref<1x2x120xi32, #tpu.memory_space<hbm>>
            %dma_start3A_279 = tpu.memref_squeeze %dma_start3A_278 : memref<1x2x120xi32, #tpu.memory_space<hbm>> -> memref<2x120xi32, #tpu.memory_space<hbm>>
            tpu.enqueue_dma source(%dma_start3A_279 : memref<2x120xi32, #tpu.memory_space<hbm>>) target(%arg5 : memref<2x120xi32, #tpu.memory_space<vmem>>) target_semaphore(%arg15 : memref<!tpu.dma_semaphore, #tpu.memory_space<semaphore_mem>>)
          } else {
          }
          %add3A_248 = arith.constant 1 : i32
          %add3A_249 = arith.addi %scan3A_116, %add3A_248 : i32
          %lt3A_250 = arith.constant 50 : i32
          %lt3A_251 = arith.cmpi slt, %add3A_249, %lt3A_250 : i32
          %convert_element_type3A_252 = arith.extui %lt3A_251 : i1 to i32
          %cond3A_253 = arith.constant 0 : i32
          %cond3A_254 = arith.cmpi ne, %convert_element_type3A_252, %cond3A_253 : i32
          scf.if %cond3A_254 {
            %add3A_269 = arith.addi %add3A_42, %scan3A_116 : i32
            %add3A_270 = arith.constant 1 : i32
            %add3A_271 = arith.addi %add3A_269, %add3A_270 : i32
            %dma_wait3A_272 = arith.constant 0 : i32
            %dma_wait3A_273 = arith.constant 0 : i32
            %dma_wait3A_274 = tpu.memref_slice %arg3[%add3A_271, %dma_wait3A_272, %dma_wait3A_273] : memref<2672x2x120xi32, #tpu.memory_space<hbm>> -> memref<1x2x120xi32, #tpu.memory_space<hbm>>
            %dma_wait3A_275 = tpu.memref_squeeze %dma_wait3A_274 : memref<1x2x120xi32, #tpu.memory_space<hbm>> -> memref<2x120xi32, #tpu.memory_space<hbm>>
            %dma_wait3A_276 = arith.constant 0 : i32
            %dma_wait3A_277 = arith.constant 0 : i32
            %dma_wait3A_278 = tpu.memref_slice %arg3[%add3A_271, %dma_wait3A_276, %dma_wait3A_277] : memref<2672x2x120xi32, #tpu.memory_space<hbm>> -> memref<1x2x120xi32, #tpu.memory_space<hbm>>
            %dma_wait3A_279 = tpu.memref_squeeze %dma_wait3A_278 : memref<1x2x120xi32, #tpu.memory_space<hbm>> -> memref<2x120xi32, #tpu.memory_space<hbm>>
            tpu.wait_dma2 semaphore(%arg18 : memref<!tpu.dma_semaphore, #tpu.memory_space<semaphore_mem>>) src(%dma_wait3A_279 : memref<2x120xi32, #tpu.memory_space<hbm>>) dst(%arg8 : memref<2x120xi32, #tpu.memory_space<vmem>>)
            %dma_start3A_280 = arith.constant 0 : i32
            %dma_start3A_281 = arith.constant 0 : i32
            %dma_start3A_282 = tpu.memref_slice %arg8[%dma_start3A_280, %dma_start3A_281] : memref<2x120xi32, #tpu.memory_space<vmem>> -> memref<1x120xi32, #tpu.memory_space<vmem>>
            %dma_start3A_283 = tpu.memref_squeeze %dma_start3A_282 : memref<1x120xi32, #tpu.memory_space<vmem>> -> memref<120xi32, #tpu.memory_space<vmem>>
            %dma_start3A_284 = arith.constant 0 : i32
            %dma_start3A_285 = arith.constant 0 : i32
            %dma_start3A_286 = tpu.memref_slice %arg2[%dma_start3A_284, %dma_start3A_285] : memref<10000x128xf32, #tpu.memory_space<hbm>> -> memref<10000x128xf32, #tpu.memory_space<hbm>>
            tpu.enqueue_indirect_dma source(%dma_start3A_286 : memref<10000x128xf32, #tpu.memory_space<hbm>>) target(%arg11 : memref<120x128xf32, #tpu.memory_space<vmem>>) offsets(%dma_start3A_283 : memref<120xi32, #tpu.memory_space<vmem>>) semaphore(%arg21 : memref<!tpu.dma_semaphore, #tpu.memory_space<semaphore_mem>>)
          } else {
          }
          %dma_wait3A_255 = arith.constant 0 : i32
          %dma_wait3A_256 = arith.constant 0 : i32
          %dma_wait3A_257 = tpu.memref_slice %arg7[%dma_wait3A_255, %dma_wait3A_256] : memref<2x120xi32, #tpu.memory_space<vmem>> -> memref<1x120xi32, #tpu.memory_space<vmem>>
          %dma_wait3A_258 = tpu.memref_squeeze %dma_wait3A_257 : memref<1x120xi32, #tpu.memory_space<vmem>> -> memref<120xi32, #tpu.memory_space<vmem>>
          %dma_wait3A_259 = arith.constant 0 : i32
          %dma_wait3A_260 = arith.constant 0 : i32
          %dma_wait3A_261 = tpu.memref_slice %arg2[%dma_wait3A_259, %dma_wait3A_260] : memref<10000x128xf32, #tpu.memory_space<hbm>> -> memref<10000x128xf32, #tpu.memory_space<hbm>>
          tpu.wait_indirect_dma semaphore(%arg23 : memref<!tpu.dma_semaphore, #tpu.memory_space<semaphore_mem>>) src(%dma_wait3A_261 : memref<10000x128xf32, #tpu.memory_space<hbm>>) dst(%arg13 : memref<120x128xf32, #tpu.memory_space<vmem>>)
          %dma_start3A_262 = arith.constant 1 : i32
          %dma_start3A_263 = arith.constant 0 : i32
          %dma_start3A_264 = tpu.memref_slice %arg7[%dma_start3A_262, %dma_start3A_263] : memref<2x120xi32, #tpu.memory_space<vmem>> -> memref<1x120xi32, #tpu.memory_space<vmem>>
          %dma_start3A_265 = tpu.memref_squeeze %dma_start3A_264 : memref<1x120xi32, #tpu.memory_space<vmem>> -> memref<120xi32, #tpu.memory_space<vmem>>
          %dma_start3A_266 = arith.constant 0 : i32
          %dma_start3A_267 = arith.constant 0 : i32
          %dma_start3A_268 = tpu.memref_slice %arg14[%dma_start3A_266, %dma_start3A_267] : memref<10112x128xf32, #tpu.memory_space<vmem_shared>> -> memref<10112x128xf32, #tpu.memory_space<vmem_shared>>
          tpu.enqueue_indirect_dma source(%arg13 : memref<120x128xf32, #tpu.memory_space<vmem>>) target(%dma_start3A_268 : memref<10112x128xf32, #tpu.memory_space<vmem_shared>>) offsets(%dma_start3A_265 : memref<120xi32, #tpu.memory_space<vmem>>) semaphore(%arg26 : memref<!tpu.dma_semaphore, #tpu.memory_space<semaphore_mem>>) {add = true}
        } else {
        }
        %jit3A_174 = arith.constant 6 : i32
        %eq3A_175 = arith.constant 0 : i32
        %eq3A_176 = arith.cmpi eq, %jit3A_174, %eq3A_175 : i32
        %jit3A_177 = arith.constant 1 : i32
        %select_n3A_178 = arith.select %eq3A_176, %jit3A_177, %jit3A_174 : i32
        %rem3A_179 = arith.remsi %scan3A_116, %select_n3A_178 : i32
        %ne3A_180 = arith.constant 0 : i32
        %ne3A_181 = arith.cmpi ne, %rem3A_179, %ne3A_180 : i32
        %lt3A_182 = arith.constant 0 : i32
        %lt3A_183 = arith.cmpi slt, %rem3A_179, %lt3A_182 : i32
        %lt3A_184 = arith.constant 0 : i32
        %lt3A_185 = arith.cmpi slt, %select_n3A_178, %lt3A_184 : i32
        %ne3A_186 = arith.xori %lt3A_183, %lt3A_185 : i1
        %and3A_187 = arith.andi %ne3A_186, %ne3A_181 : i1
        %add3A_188 = arith.addi %rem3A_179, %select_n3A_178 : i32
        %select_n3A_189 = arith.select %and3A_187, %add3A_188, %rem3A_179 : i32
        %eq3A_190 = arith.constant 3 : i32
        %eq3A_191 = arith.cmpi eq, %select_n3A_189, %eq3A_190 : i32
        %convert_element_type3A_192 = arith.extui %eq3A_191 : i1 to i32
        %cond3A_193 = arith.constant 0 : i32
        %cond3A_194 = arith.cmpi ne, %convert_element_type3A_192, %cond3A_193 : i32
        scf.if %cond3A_194 {
          %ge3A = arith.constant 2 : i32
          %ge3A_237 = arith.cmpi sge, %scan3A_116, %ge3A : i32
          %convert_element_type3A_238 = arith.extui %ge3A_237 : i1 to i32
          %cond3A_239 = arith.constant 0 : i32
          %cond3A_240 = arith.cmpi ne, %convert_element_type3A_238, %cond3A_239 : i32
          scf.if %cond3A_240 {
            %dma_wait3A_269 = arith.constant 1 : i32
            %dma_wait3A_270 = arith.constant 0 : i32
            %dma_wait3A_271 = tpu.memref_slice %arg6[%dma_wait3A_269, %dma_wait3A_270] : memref<2x120xi32, #tpu.memory_space<vmem>> -> memref<1x120xi32, #tpu.memory_space<vmem>>
            %dma_wait3A_272 = tpu.memref_squeeze %dma_wait3A_271 : memref<1x120xi32, #tpu.memory_space<vmem>> -> memref<120xi32, #tpu.memory_space<vmem>>
            %dma_wait3A_273 = arith.constant 0 : i32
            %dma_wait3A_274 = arith.constant 0 : i32
            %dma_wait3A_275 = tpu.memref_slice %arg14[%dma_wait3A_273, %dma_wait3A_274] : memref<10112x128xf32, #tpu.memory_space<vmem_shared>> -> memref<10112x128xf32, #tpu.memory_space<vmem_shared>>
            tpu.wait_indirect_dma semaphore(%arg25 : memref<!tpu.dma_semaphore, #tpu.memory_space<semaphore_mem>>) src(%arg12 : memref<120x128xf32, #tpu.memory_space<vmem>>) dst(%dma_wait3A_275 : memref<10112x128xf32, #tpu.memory_space<vmem_shared>>)
          } else {
          }
          %add3A_241 = arith.constant 4 : i32
          %add3A_242 = arith.addi %scan3A_116, %add3A_241 : i32
          %lt3A_243 = arith.constant 50 : i32
          %lt3A_244 = arith.cmpi slt, %add3A_242, %lt3A_243 : i32
          %convert_element_type3A_245 = arith.extui %lt3A_244 : i1 to i32
          %cond3A_246 = arith.constant 0 : i32
          %cond3A_247 = arith.cmpi ne, %convert_element_type3A_245, %cond3A_246 : i32
          scf.if %cond3A_247 {
            %add3A_269 = arith.addi %add3A_42, %scan3A_116 : i32
            %add3A_270 = arith.constant 4 : i32
            %add3A_271 = arith.addi %add3A_269, %add3A_270 : i32
            %dma_start3A_272 = arith.constant 0 : i32
            %dma_start3A_273 = arith.constant 0 : i32
            %dma_start3A_274 = tpu.memref_slice %arg3[%add3A_271, %dma_start3A_272, %dma_start3A_273] : memref<2672x2x120xi32, #tpu.memory_space<hbm>> -> memref<1x2x120xi32, #tpu.memory_space<hbm>>
            %dma_start3A_275 = tpu.memref_squeeze %dma_start3A_274 : memref<1x2x120xi32, #tpu.memory_space<hbm>> -> memref<2x120xi32, #tpu.memory_space<hbm>>
            %dma_start3A_276 = arith.constant 0 : i32
            %dma_start3A_277 = arith.constant 0 : i32
            %dma_start3A_278 = tpu.memref_slice %arg3[%add3A_271, %dma_start3A_276, %dma_start3A_277] : memref<2672x2x120xi32, #tpu.memory_space<hbm>> -> memref<1x2x120xi32, #tpu.memory_space<hbm>>
            %dma_start3A_279 = tpu.memref_squeeze %dma_start3A_278 : memref<1x2x120xi32, #tpu.memory_space<hbm>> -> memref<2x120xi32, #tpu.memory_space<hbm>>
            tpu.enqueue_dma source(%dma_start3A_279 : memref<2x120xi32, #tpu.memory_space<hbm>>) target(%arg6 : memref<2x120xi32, #tpu.memory_space<vmem>>) target_semaphore(%arg16 : memref<!tpu.dma_semaphore, #tpu.memory_space<semaphore_mem>>)
          } else {
          }
          %add3A_248 = arith.constant 1 : i32
          %add3A_249 = arith.addi %scan3A_116, %add3A_248 : i32
          %lt3A_250 = arith.constant 50 : i32
          %lt3A_251 = arith.cmpi slt, %add3A_249, %lt3A_250 : i32
          %convert_element_type3A_252 = arith.extui %lt3A_251 : i1 to i32
          %cond3A_253 = arith.constant 0 : i32
          %cond3A_254 = arith.cmpi ne, %convert_element_type3A_252, %cond3A_253 : i32
          scf.if %cond3A_254 {
            %add3A_269 = arith.addi %add3A_42, %scan3A_116 : i32
            %add3A_270 = arith.constant 1 : i32
            %add3A_271 = arith.addi %add3A_269, %add3A_270 : i32
            %dma_wait3A_272 = arith.constant 0 : i32
            %dma_wait3A_273 = arith.constant 0 : i32
            %dma_wait3A_274 = tpu.memref_slice %arg3[%add3A_271, %dma_wait3A_272, %dma_wait3A_273] : memref<2672x2x120xi32, #tpu.memory_space<hbm>> -> memref<1x2x120xi32, #tpu.memory_space<hbm>>
            %dma_wait3A_275 = tpu.memref_squeeze %dma_wait3A_274 : memref<1x2x120xi32, #tpu.memory_space<hbm>> -> memref<2x120xi32, #tpu.memory_space<hbm>>
            %dma_wait3A_276 = arith.constant 0 : i32
            %dma_wait3A_277 = arith.constant 0 : i32
            %dma_wait3A_278 = tpu.memref_slice %arg3[%add3A_271, %dma_wait3A_276, %dma_wait3A_277] : memref<2672x2x120xi32, #tpu.memory_space<hbm>> -> memref<1x2x120xi32, #tpu.memory_space<hbm>>
            %dma_wait3A_279 = tpu.memref_squeeze %dma_wait3A_278 : memref<1x2x120xi32, #tpu.memory_space<hbm>> -> memref<2x120xi32, #tpu.memory_space<hbm>>
            tpu.wait_dma2 semaphore(%arg19 : memref<!tpu.dma_semaphore, #tpu.memory_space<semaphore_mem>>) src(%dma_wait3A_279 : memref<2x120xi32, #tpu.memory_space<hbm>>) dst(%arg9 : memref<2x120xi32, #tpu.memory_space<vmem>>)
            %dma_start3A_280 = arith.constant 0 : i32
            %dma_start3A_281 = arith.constant 0 : i32
            %dma_start3A_282 = tpu.memref_slice %arg9[%dma_start3A_280, %dma_start3A_281] : memref<2x120xi32, #tpu.memory_space<vmem>> -> memref<1x120xi32, #tpu.memory_space<vmem>>
            %dma_start3A_283 = tpu.memref_squeeze %dma_start3A_282 : memref<1x120xi32, #tpu.memory_space<vmem>> -> memref<120xi32, #tpu.memory_space<vmem>>
            %dma_start3A_284 = arith.constant 0 : i32
            %dma_start3A_285 = arith.constant 0 : i32
            %dma_start3A_286 = tpu.memref_slice %arg2[%dma_start3A_284, %dma_start3A_285] : memref<10000x128xf32, #tpu.memory_space<hbm>> -> memref<10000x128xf32, #tpu.memory_space<hbm>>
            tpu.enqueue_indirect_dma source(%dma_start3A_286 : memref<10000x128xf32, #tpu.memory_space<hbm>>) target(%arg12 : memref<120x128xf32, #tpu.memory_space<vmem>>) offsets(%dma_start3A_283 : memref<120xi32, #tpu.memory_space<vmem>>) semaphore(%arg22 : memref<!tpu.dma_semaphore, #tpu.memory_space<semaphore_mem>>)
          } else {
          }
          %dma_wait3A_255 = arith.constant 0 : i32
          %dma_wait3A_256 = arith.constant 0 : i32
          %dma_wait3A_257 = tpu.memref_slice %arg8[%dma_wait3A_255, %dma_wait3A_256] : memref<2x120xi32, #tpu.memory_space<vmem>> -> memref<1x120xi32, #tpu.memory_space<vmem>>
          %dma_wait3A_258 = tpu.memref_squeeze %dma_wait3A_257 : memref<1x120xi32, #tpu.memory_space<vmem>> -> memref<120xi32, #tpu.memory_space<vmem>>
          %dma_wait3A_259 = arith.constant 0 : i32
          %dma_wait3A_260 = arith.constant 0 : i32
          %dma_wait3A_261 = tpu.memref_slice %arg2[%dma_wait3A_259, %dma_wait3A_260] : memref<10000x128xf32, #tpu.memory_space<hbm>> -> memref<10000x128xf32, #tpu.memory_space<hbm>>
          tpu.wait_indirect_dma semaphore(%arg21 : memref<!tpu.dma_semaphore, #tpu.memory_space<semaphore_mem>>) src(%dma_wait3A_261 : memref<10000x128xf32, #tpu.memory_space<hbm>>) dst(%arg11 : memref<120x128xf32, #tpu.memory_space<vmem>>)
          %dma_start3A_262 = arith.constant 1 : i32
          %dma_start3A_263 = arith.constant 0 : i32
          %dma_start3A_264 = tpu.memref_slice %arg8[%dma_start3A_262, %dma_start3A_263] : memref<2x120xi32, #tpu.memory_space<vmem>> -> memref<1x120xi32, #tpu.memory_space<vmem>>
          %dma_start3A_265 = tpu.memref_squeeze %dma_start3A_264 : memref<1x120xi32, #tpu.memory_space<vmem>> -> memref<120xi32, #tpu.memory_space<vmem>>
          %dma_start3A_266 = arith.constant 0 : i32
          %dma_start3A_267 = arith.constant 0 : i32
          %dma_start3A_268 = tpu.memref_slice %arg14[%dma_start3A_266, %dma_start3A_267] : memref<10112x128xf32, #tpu.memory_space<vmem_shared>> -> memref<10112x128xf32, #tpu.memory_space<vmem_shared>>
          tpu.enqueue_indirect_dma source(%arg11 : memref<120x128xf32, #tpu.memory_space<vmem>>) target(%dma_start3A_268 : memref<10112x128xf32, #tpu.memory_space<vmem_shared>>) offsets(%dma_start3A_265 : memref<120xi32, #tpu.memory_space<vmem>>) semaphore(%arg24 : memref<!tpu.dma_semaphore, #tpu.memory_space<semaphore_mem>>) {add = true}
        } else {
        }
        %jit3A_195 = arith.constant 6 : i32
        %eq3A_196 = arith.constant 0 : i32
        %eq3A_197 = arith.cmpi eq, %jit3A_195, %eq3A_196 : i32
        %jit3A_198 = arith.constant 1 : i32
        %select_n3A_199 = arith.select %eq3A_197, %jit3A_198, %jit3A_195 : i32
        %rem3A_200 = arith.remsi %scan3A_116, %select_n3A_199 : i32
        %ne3A_201 = arith.constant 0 : i32
        %ne3A_202 = arith.cmpi ne, %rem3A_200, %ne3A_201 : i32
        %lt3A_203 = arith.constant 0 : i32
        %lt3A_204 = arith.cmpi slt, %rem3A_200, %lt3A_203 : i32
        %lt3A_205 = arith.constant 0 : i32
        %lt3A_206 = arith.cmpi slt, %select_n3A_199, %lt3A_205 : i32
        %ne3A_207 = arith.xori %lt3A_204, %lt3A_206 : i1
        %and3A_208 = arith.andi %ne3A_207, %ne3A_202 : i1
        %add3A_209 = arith.addi %rem3A_200, %select_n3A_199 : i32
        %select_n3A_210 = arith.select %and3A_208, %add3A_209, %rem3A_200 : i32
        %eq3A_211 = arith.constant 4 : i32
        %eq3A_212 = arith.cmpi eq, %select_n3A_210, %eq3A_211 : i32
        %convert_element_type3A_213 = arith.extui %eq3A_212 : i1 to i32
        %cond3A_214 = arith.constant 0 : i32
        %cond3A_215 = arith.cmpi ne, %convert_element_type3A_213, %cond3A_214 : i32
        scf.if %cond3A_215 {
          %ge3A = arith.constant 2 : i32
          %ge3A_237 = arith.cmpi sge, %scan3A_116, %ge3A : i32
          %convert_element_type3A_238 = arith.extui %ge3A_237 : i1 to i32
          %cond3A_239 = arith.constant 0 : i32
          %cond3A_240 = arith.cmpi ne, %convert_element_type3A_238, %cond3A_239 : i32
          scf.if %cond3A_240 {
            %dma_wait3A_269 = arith.constant 1 : i32
            %dma_wait3A_270 = arith.constant 0 : i32
            %dma_wait3A_271 = tpu.memref_slice %arg7[%dma_wait3A_269, %dma_wait3A_270] : memref<2x120xi32, #tpu.memory_space<vmem>> -> memref<1x120xi32, #tpu.memory_space<vmem>>
            %dma_wait3A_272 = tpu.memref_squeeze %dma_wait3A_271 : memref<1x120xi32, #tpu.memory_space<vmem>> -> memref<120xi32, #tpu.memory_space<vmem>>
            %dma_wait3A_273 = arith.constant 0 : i32
            %dma_wait3A_274 = arith.constant 0 : i32
            %dma_wait3A_275 = tpu.memref_slice %arg14[%dma_wait3A_273, %dma_wait3A_274] : memref<10112x128xf32, #tpu.memory_space<vmem_shared>> -> memref<10112x128xf32, #tpu.memory_space<vmem_shared>>
            tpu.wait_indirect_dma semaphore(%arg26 : memref<!tpu.dma_semaphore, #tpu.memory_space<semaphore_mem>>) src(%arg13 : memref<120x128xf32, #tpu.memory_space<vmem>>) dst(%dma_wait3A_275 : memref<10112x128xf32, #tpu.memory_space<vmem_shared>>)
          } else {
          }
          %add3A_241 = arith.constant 4 : i32
          %add3A_242 = arith.addi %scan3A_116, %add3A_241 : i32
          %lt3A_243 = arith.constant 50 : i32
          %lt3A_244 = arith.cmpi slt, %add3A_242, %lt3A_243 : i32
          %convert_element_type3A_245 = arith.extui %lt3A_244 : i1 to i32
          %cond3A_246 = arith.constant 0 : i32
          %cond3A_247 = arith.cmpi ne, %convert_element_type3A_245, %cond3A_246 : i32
          scf.if %cond3A_247 {
            %add3A_269 = arith.addi %add3A_42, %scan3A_116 : i32
            %add3A_270 = arith.constant 4 : i32
            %add3A_271 = arith.addi %add3A_269, %add3A_270 : i32
            %dma_start3A_272 = arith.constant 0 : i32
            %dma_start3A_273 = arith.constant 0 : i32
            %dma_start3A_274 = tpu.memref_slice %arg3[%add3A_271, %dma_start3A_272, %dma_start3A_273] : memref<2672x2x120xi32, #tpu.memory_space<hbm>> -> memref<1x2x120xi32, #tpu.memory_space<hbm>>
            %dma_start3A_275 = tpu.memref_squeeze %dma_start3A_274 : memref<1x2x120xi32, #tpu.memory_space<hbm>> -> memref<2x120xi32, #tpu.memory_space<hbm>>
            %dma_start3A_276 = arith.constant 0 : i32
            %dma_start3A_277 = arith.constant 0 : i32
            %dma_start3A_278 = tpu.memref_slice %arg3[%add3A_271, %dma_start3A_276, %dma_start3A_277] : memref<2672x2x120xi32, #tpu.memory_space<hbm>> -> memref<1x2x120xi32, #tpu.memory_space<hbm>>
            %dma_start3A_279 = tpu.memref_squeeze %dma_start3A_278 : memref<1x2x120xi32, #tpu.memory_space<hbm>> -> memref<2x120xi32, #tpu.memory_space<hbm>>
            tpu.enqueue_dma source(%dma_start3A_279 : memref<2x120xi32, #tpu.memory_space<hbm>>) target(%arg7 : memref<2x120xi32, #tpu.memory_space<vmem>>) target_semaphore(%arg17 : memref<!tpu.dma_semaphore, #tpu.memory_space<semaphore_mem>>)
          } else {
          }
          %add3A_248 = arith.constant 1 : i32
          %add3A_249 = arith.addi %scan3A_116, %add3A_248 : i32
          %lt3A_250 = arith.constant 50 : i32
          %lt3A_251 = arith.cmpi slt, %add3A_249, %lt3A_250 : i32
          %convert_element_type3A_252 = arith.extui %lt3A_251 : i1 to i32
          %cond3A_253 = arith.constant 0 : i32
          %cond3A_254 = arith.cmpi ne, %convert_element_type3A_252, %cond3A_253 : i32
          scf.if %cond3A_254 {
            %add3A_269 = arith.addi %add3A_42, %scan3A_116 : i32
            %add3A_270 = arith.constant 1 : i32
            %add3A_271 = arith.addi %add3A_269, %add3A_270 : i32
            %dma_wait3A_272 = arith.constant 0 : i32
            %dma_wait3A_273 = arith.constant 0 : i32
            %dma_wait3A_274 = tpu.memref_slice %arg3[%add3A_271, %dma_wait3A_272, %dma_wait3A_273] : memref<2672x2x120xi32, #tpu.memory_space<hbm>> -> memref<1x2x120xi32, #tpu.memory_space<hbm>>
            %dma_wait3A_275 = tpu.memref_squeeze %dma_wait3A_274 : memref<1x2x120xi32, #tpu.memory_space<hbm>> -> memref<2x120xi32, #tpu.memory_space<hbm>>
            %dma_wait3A_276 = arith.constant 0 : i32
            %dma_wait3A_277 = arith.constant 0 : i32
            %dma_wait3A_278 = tpu.memref_slice %arg3[%add3A_271, %dma_wait3A_276, %dma_wait3A_277] : memref<2672x2x120xi32, #tpu.memory_space<hbm>> -> memref<1x2x120xi32, #tpu.memory_space<hbm>>
            %dma_wait3A_279 = tpu.memref_squeeze %dma_wait3A_278 : memref<1x2x120xi32, #tpu.memory_space<hbm>> -> memref<2x120xi32, #tpu.memory_space<hbm>>
            tpu.wait_dma2 semaphore(%arg20 : memref<!tpu.dma_semaphore, #tpu.memory_space<semaphore_mem>>) src(%dma_wait3A_279 : memref<2x120xi32, #tpu.memory_space<hbm>>) dst(%arg10 : memref<2x120xi32, #tpu.memory_space<vmem>>)
            %dma_start3A_280 = arith.constant 0 : i32
            %dma_start3A_281 = arith.constant 0 : i32
            %dma_start3A_282 = tpu.memref_slice %arg10[%dma_start3A_280, %dma_start3A_281] : memref<2x120xi32, #tpu.memory_space<vmem>> -> memref<1x120xi32, #tpu.memory_space<vmem>>
            %dma_start3A_283 = tpu.memref_squeeze %dma_start3A_282 : memref<1x120xi32, #tpu.memory_space<vmem>> -> memref<120xi32, #tpu.memory_space<vmem>>
            %dma_start3A_284 = arith.constant 0 : i32
            %dma_start3A_285 = arith.constant 0 : i32
            %dma_start3A_286 = tpu.memref_slice %arg2[%dma_start3A_284, %dma_start3A_285] : memref<10000x128xf32, #tpu.memory_space<hbm>> -> memref<10000x128xf32, #tpu.memory_space<hbm>>
            tpu.enqueue_indirect_dma source(%dma_start3A_286 : memref<10000x128xf32, #tpu.memory_space<hbm>>) target(%arg13 : memref<120x128xf32, #tpu.memory_space<vmem>>) offsets(%dma_start3A_283 : memref<120xi32, #tpu.memory_space<vmem>>) semaphore(%arg23 : memref<!tpu.dma_semaphore, #tpu.memory_space<semaphore_mem>>)
          } else {
          }
          %dma_wait3A_255 = arith.constant 0 : i32
          %dma_wait3A_256 = arith.constant 0 : i32
          %dma_wait3A_257 = tpu.memref_slice %arg9[%dma_wait3A_255, %dma_wait3A_256] : memref<2x120xi32, #tpu.memory_space<vmem>> -> memref<1x120xi32, #tpu.memory_space<vmem>>
          %dma_wait3A_258 = tpu.memref_squeeze %dma_wait3A_257 : memref<1x120xi32, #tpu.memory_space<vmem>> -> memref<120xi32, #tpu.memory_space<vmem>>
          %dma_wait3A_259 = arith.constant 0 : i32
          %dma_wait3A_260 = arith.constant 0 : i32
          %dma_wait3A_261 = tpu.memref_slice %arg2[%dma_wait3A_259, %dma_wait3A_260] : memref<10000x128xf32, #tpu.memory_space<hbm>> -> memref<10000x128xf32, #tpu.memory_space<hbm>>
          tpu.wait_indirect_dma semaphore(%arg22 : memref<!tpu.dma_semaphore, #tpu.memory_space<semaphore_mem>>) src(%dma_wait3A_261 : memref<10000x128xf32, #tpu.memory_space<hbm>>) dst(%arg12 : memref<120x128xf32, #tpu.memory_space<vmem>>)
          %dma_start3A_262 = arith.constant 1 : i32
          %dma_start3A_263 = arith.constant 0 : i32
          %dma_start3A_264 = tpu.memref_slice %arg9[%dma_start3A_262, %dma_start3A_263] : memref<2x120xi32, #tpu.memory_space<vmem>> -> memref<1x120xi32, #tpu.memory_space<vmem>>
          %dma_start3A_265 = tpu.memref_squeeze %dma_start3A_264 : memref<1x120xi32, #tpu.memory_space<vmem>> -> memref<120xi32, #tpu.memory_space<vmem>>
          %dma_start3A_266 = arith.constant 0 : i32
          %dma_start3A_267 = arith.constant 0 : i32
          %dma_start3A_268 = tpu.memref_slice %arg14[%dma_start3A_266, %dma_start3A_267] : memref<10112x128xf32, #tpu.memory_space<vmem_shared>> -> memref<10112x128xf32, #tpu.memory_space<vmem_shared>>
          tpu.enqueue_indirect_dma source(%arg12 : memref<120x128xf32, #tpu.memory_space<vmem>>) target(%dma_start3A_268 : memref<10112x128xf32, #tpu.memory_space<vmem_shared>>) offsets(%dma_start3A_265 : memref<120xi32, #tpu.memory_space<vmem>>) semaphore(%arg25 : memref<!tpu.dma_semaphore, #tpu.memory_space<semaphore_mem>>) {add = true}
        } else {
        }
        %jit3A_216 = arith.constant 6 : i32
        %eq3A_217 = arith.constant 0 : i32
        %eq3A_218 = arith.cmpi eq, %jit3A_216, %eq3A_217 : i32
        %jit3A_219 = arith.constant 1 : i32
        %select_n3A_220 = arith.select %eq3A_218, %jit3A_219, %jit3A_216 : i32
        %rem3A_221 = arith.remsi %scan3A_116, %select_n3A_220 : i32
        %ne3A_222 = arith.constant 0 : i32
        %ne3A_223 = arith.cmpi ne, %rem3A_221, %ne3A_222 : i32
        %lt3A_224 = arith.constant 0 : i32
        %lt3A_225 = arith.cmpi slt, %rem3A_221, %lt3A_224 : i32
        %lt3A_226 = arith.constant 0 : i32
        %lt3A_227 = arith.cmpi slt, %select_n3A_220, %lt3A_226 : i32
        %ne3A_228 = arith.xori %lt3A_225, %lt3A_227 : i1
        %and3A_229 = arith.andi %ne3A_228, %ne3A_223 : i1
        %add3A_230 = arith.addi %rem3A_221, %select_n3A_220 : i32
        %select_n3A_231 = arith.select %and3A_229, %add3A_230, %rem3A_221 : i32
        %eq3A_232 = arith.constant 5 : i32
        %eq3A_233 = arith.cmpi eq, %select_n3A_231, %eq3A_232 : i32
        %convert_element_type3A_234 = arith.extui %eq3A_233 : i1 to i32
        %cond3A_235 = arith.constant 0 : i32
        %cond3A_236 = arith.cmpi ne, %convert_element_type3A_234, %cond3A_235 : i32
        scf.if %cond3A_236 {
          %ge3A = arith.constant 2 : i32
          %ge3A_237 = arith.cmpi sge, %scan3A_116, %ge3A : i32
          %convert_element_type3A_238 = arith.extui %ge3A_237 : i1 to i32
          %cond3A_239 = arith.constant 0 : i32
          %cond3A_240 = arith.cmpi ne, %convert_element_type3A_238, %cond3A_239 : i32
          scf.if %cond3A_240 {
            %dma_wait3A_269 = arith.constant 1 : i32
            %dma_wait3A_270 = arith.constant 0 : i32
            %dma_wait3A_271 = tpu.memref_slice %arg8[%dma_wait3A_269, %dma_wait3A_270] : memref<2x120xi32, #tpu.memory_space<vmem>> -> memref<1x120xi32, #tpu.memory_space<vmem>>
            %dma_wait3A_272 = tpu.memref_squeeze %dma_wait3A_271 : memref<1x120xi32, #tpu.memory_space<vmem>> -> memref<120xi32, #tpu.memory_space<vmem>>
            %dma_wait3A_273 = arith.constant 0 : i32
            %dma_wait3A_274 = arith.constant 0 : i32
            %dma_wait3A_275 = tpu.memref_slice %arg14[%dma_wait3A_273, %dma_wait3A_274] : memref<10112x128xf32, #tpu.memory_space<vmem_shared>> -> memref<10112x128xf32, #tpu.memory_space<vmem_shared>>
            tpu.wait_indirect_dma semaphore(%arg24 : memref<!tpu.dma_semaphore, #tpu.memory_space<semaphore_mem>>) src(%arg11 : memref<120x128xf32, #tpu.memory_space<vmem>>) dst(%dma_wait3A_275 : memref<10112x128xf32, #tpu.memory_space<vmem_shared>>)
          } else {
          }
          %add3A_241 = arith.constant 4 : i32
          %add3A_242 = arith.addi %scan3A_116, %add3A_241 : i32
          %lt3A_243 = arith.constant 50 : i32
          %lt3A_244 = arith.cmpi slt, %add3A_242, %lt3A_243 : i32
          %convert_element_type3A_245 = arith.extui %lt3A_244 : i1 to i32
          %cond3A_246 = arith.constant 0 : i32
          %cond3A_247 = arith.cmpi ne, %convert_element_type3A_245, %cond3A_246 : i32
          scf.if %cond3A_247 {
            %add3A_269 = arith.addi %add3A_42, %scan3A_116 : i32
            %add3A_270 = arith.constant 4 : i32
            %add3A_271 = arith.addi %add3A_269, %add3A_270 : i32
            %dma_start3A_272 = arith.constant 0 : i32
            %dma_start3A_273 = arith.constant 0 : i32
            %dma_start3A_274 = tpu.memref_slice %arg3[%add3A_271, %dma_start3A_272, %dma_start3A_273] : memref<2672x2x120xi32, #tpu.memory_space<hbm>> -> memref<1x2x120xi32, #tpu.memory_space<hbm>>
            %dma_start3A_275 = tpu.memref_squeeze %dma_start3A_274 : memref<1x2x120xi32, #tpu.memory_space<hbm>> -> memref<2x120xi32, #tpu.memory_space<hbm>>
            %dma_start3A_276 = arith.constant 0 : i32
            %dma_start3A_277 = arith.constant 0 : i32
            %dma_start3A_278 = tpu.memref_slice %arg3[%add3A_271, %dma_start3A_276, %dma_start3A_277] : memref<2672x2x120xi32, #tpu.memory_space<hbm>> -> memref<1x2x120xi32, #tpu.memory_space<hbm>>
            %dma_start3A_279 = tpu.memref_squeeze %dma_start3A_278 : memref<1x2x120xi32, #tpu.memory_space<hbm>> -> memref<2x120xi32, #tpu.memory_space<hbm>>
            tpu.enqueue_dma source(%dma_start3A_279 : memref<2x120xi32, #tpu.memory_space<hbm>>) target(%arg8 : memref<2x120xi32, #tpu.memory_space<vmem>>) target_semaphore(%arg18 : memref<!tpu.dma_semaphore, #tpu.memory_space<semaphore_mem>>)
          } else {
          }
          %add3A_248 = arith.constant 1 : i32
          %add3A_249 = arith.addi %scan3A_116, %add3A_248 : i32
          %lt3A_250 = arith.constant 50 : i32
          %lt3A_251 = arith.cmpi slt, %add3A_249, %lt3A_250 : i32
          %convert_element_type3A_252 = arith.extui %lt3A_251 : i1 to i32
          %cond3A_253 = arith.constant 0 : i32
          %cond3A_254 = arith.cmpi ne, %convert_element_type3A_252, %cond3A_253 : i32
          scf.if %cond3A_254 {
            %add3A_269 = arith.addi %add3A_42, %scan3A_116 : i32
            %add3A_270 = arith.constant 1 : i32
            %add3A_271 = arith.addi %add3A_269, %add3A_270 : i32
            %dma_wait3A_272 = arith.constant 0 : i32
            %dma_wait3A_273 = arith.constant 0 : i32
            %dma_wait3A_274 = tpu.memref_slice %arg3[%add3A_271, %dma_wait3A_272, %dma_wait3A_273] : memref<2672x2x120xi32, #tpu.memory_space<hbm>> -> memref<1x2x120xi32, #tpu.memory_space<hbm>>
            %dma_wait3A_275 = tpu.memref_squeeze %dma_wait3A_274 : memref<1x2x120xi32, #tpu.memory_space<hbm>> -> memref<2x120xi32, #tpu.memory_space<hbm>>
            %dma_wait3A_276 = arith.constant 0 : i32
            %dma_wait3A_277 = arith.constant 0 : i32
            %dma_wait3A_278 = tpu.memref_slice %arg3[%add3A_271, %dma_wait3A_276, %dma_wait3A_277] : memref<2672x2x120xi32, #tpu.memory_space<hbm>> -> memref<1x2x120xi32, #tpu.memory_space<hbm>>
            %dma_wait3A_279 = tpu.memref_squeeze %dma_wait3A_278 : memref<1x2x120xi32, #tpu.memory_space<hbm>> -> memref<2x120xi32, #tpu.memory_space<hbm>>
            tpu.wait_dma2 semaphore(%arg15 : memref<!tpu.dma_semaphore, #tpu.memory_space<semaphore_mem>>) src(%dma_wait3A_279 : memref<2x120xi32, #tpu.memory_space<hbm>>) dst(%arg5 : memref<2x120xi32, #tpu.memory_space<vmem>>)
            %dma_start3A_280 = arith.constant 0 : i32
            %dma_start3A_281 = arith.constant 0 : i32
            %dma_start3A_282 = tpu.memref_slice %arg5[%dma_start3A_280, %dma_start3A_281] : memref<2x120xi32, #tpu.memory_space<vmem>> -> memref<1x120xi32, #tpu.memory_space<vmem>>
            %dma_start3A_283 = tpu.memref_squeeze %dma_start3A_282 : memref<1x120xi32, #tpu.memory_space<vmem>> -> memref<120xi32, #tpu.memory_space<vmem>>
            %dma_start3A_284 = arith.constant 0 : i32
            %dma_start3A_285 = arith.constant 0 : i32
            %dma_start3A_286 = tpu.memref_slice %arg2[%dma_start3A_284, %dma_start3A_285] : memref<10000x128xf32, #tpu.memory_space<hbm>> -> memref<10000x128xf32, #tpu.memory_space<hbm>>
            tpu.enqueue_indirect_dma source(%dma_start3A_286 : memref<10000x128xf32, #tpu.memory_space<hbm>>) target(%arg11 : memref<120x128xf32, #tpu.memory_space<vmem>>) offsets(%dma_start3A_283 : memref<120xi32, #tpu.memory_space<vmem>>) semaphore(%arg21 : memref<!tpu.dma_semaphore, #tpu.memory_space<semaphore_mem>>)
          } else {
          }
          %dma_wait3A_255 = arith.constant 0 : i32
          %dma_wait3A_256 = arith.constant 0 : i32
          %dma_wait3A_257 = tpu.memref_slice %arg10[%dma_wait3A_255, %dma_wait3A_256] : memref<2x120xi32, #tpu.memory_space<vmem>> -> memref<1x120xi32, #tpu.memory_space<vmem>>
          %dma_wait3A_258 = tpu.memref_squeeze %dma_wait3A_257 : memref<1x120xi32, #tpu.memory_space<vmem>> -> memref<120xi32, #tpu.memory_space<vmem>>
          %dma_wait3A_259 = arith.constant 0 : i32
          %dma_wait3A_260 = arith.constant 0 : i32
          %dma_wait3A_261 = tpu.memref_slice %arg2[%dma_wait3A_259, %dma_wait3A_260] : memref<10000x128xf32, #tpu.memory_space<hbm>> -> memref<10000x128xf32, #tpu.memory_space<hbm>>
          tpu.wait_indirect_dma semaphore(%arg23 : memref<!tpu.dma_semaphore, #tpu.memory_space<semaphore_mem>>) src(%dma_wait3A_261 : memref<10000x128xf32, #tpu.memory_space<hbm>>) dst(%arg13 : memref<120x128xf32, #tpu.memory_space<vmem>>)
          %dma_start3A_262 = arith.constant 1 : i32
          %dma_start3A_263 = arith.constant 0 : i32
          %dma_start3A_264 = tpu.memref_slice %arg10[%dma_start3A_262, %dma_start3A_263] : memref<2x120xi32, #tpu.memory_space<vmem>> -> memref<1x120xi32, #tpu.memory_space<vmem>>
          %dma_start3A_265 = tpu.memref_squeeze %dma_start3A_264 : memref<1x120xi32, #tpu.memory_space<vmem>> -> memref<120xi32, #tpu.memory_space<vmem>>
          %dma_start3A_266 = arith.constant 0 : i32
          %dma_start3A_267 = arith.constant 0 : i32
          %dma_start3A_268 = tpu.memref_slice %arg14[%dma_start3A_266, %dma_start3A_267] : memref<10112x128xf32, #tpu.memory_space<vmem_shared>> -> memref<10112x128xf32, #tpu.memory_space<vmem_shared>>
          tpu.enqueue_indirect_dma source(%arg13 : memref<120x128xf32, #tpu.memory_space<vmem>>) target(%dma_start3A_268 : memref<10112x128xf32, #tpu.memory_space<vmem_shared>>) offsets(%dma_start3A_265 : memref<120xi32, #tpu.memory_space<vmem>>) semaphore(%arg26 : memref<!tpu.dma_semaphore, #tpu.memory_space<semaphore_mem>>) {add = true}
        } else {
        }
      }
      %scan3A_101 = arith.constant 50 : i32
      %dma_wait3A_102 = arith.constant 1 : i32
      %dma_wait3A_103 = arith.constant 0 : i32
      %dma_wait3A_104 = tpu.memref_slice %arg5[%dma_wait3A_102, %dma_wait3A_103] : memref<2x120xi32, #tpu.memory_space<vmem>> -> memref<1x120xi32, #tpu.memory_space<vmem>>
      %dma_wait3A_105 = tpu.memref_squeeze %dma_wait3A_104 : memref<1x120xi32, #tpu.memory_space<vmem>> -> memref<120xi32, #tpu.memory_space<vmem>>
      %dma_wait3A_106 = arith.constant 0 : i32
      %dma_wait3A_107 = arith.constant 0 : i32
      %dma_wait3A_108 = tpu.memref_slice %arg14[%dma_wait3A_106, %dma_wait3A_107] : memref<10112x128xf32, #tpu.memory_space<vmem_shared>> -> memref<10112x128xf32, #tpu.memory_space<vmem_shared>>
      tpu.wait_indirect_dma semaphore(%arg24 : memref<!tpu.dma_semaphore, #tpu.memory_space<semaphore_mem>>) src(%arg11 : memref<120x128xf32, #tpu.memory_space<vmem>>) dst(%dma_wait3A_108 : memref<10112x128xf32, #tpu.memory_space<vmem_shared>>)
      %dma_wait3A_109 = arith.constant 1 : i32
      %dma_wait3A_110 = arith.constant 0 : i32
      %dma_wait3A_111 = tpu.memref_slice %arg6[%dma_wait3A_109, %dma_wait3A_110] : memref<2x120xi32, #tpu.memory_space<vmem>> -> memref<1x120xi32, #tpu.memory_space<vmem>>
      %dma_wait3A_112 = tpu.memref_squeeze %dma_wait3A_111 : memref<1x120xi32, #tpu.memory_space<vmem>> -> memref<120xi32, #tpu.memory_space<vmem>>
      %dma_wait3A_113 = arith.constant 0 : i32
      %dma_wait3A_114 = arith.constant 0 : i32
      %dma_wait3A_115 = tpu.memref_slice %arg14[%dma_wait3A_113, %dma_wait3A_114] : memref<10112x128xf32, #tpu.memory_space<vmem_shared>> -> memref<10112x128xf32, #tpu.memory_space<vmem_shared>>
      tpu.wait_indirect_dma semaphore(%arg25 : memref<!tpu.dma_semaphore, #tpu.memory_space<semaphore_mem>>) src(%arg12 : memref<120x128xf32, #tpu.memory_space<vmem>>) dst(%dma_wait3A_115 : memref<10112x128xf32, #tpu.memory_space<vmem_shared>>)
    } else {
    }
    %barrier3A_34 = arith.constant 0 : index
    tpu.barrier barrier_id(%barrier3A_34)
    %mul3A_35 = arith.constant 632 : i32
    %mul3A_36 = arith.muli %arg1, %mul3A_35 : i32
    %mul3A_37 = arith.constant 632 : i32
    %mul3A_38 = arith.muli %arg1, %mul3A_37 : i32
    "tpu.region"() ({
      %run_scoped3A = tpu.sem_alloc : memref<!tpu.dma_semaphore, #tpu.memory_space<semaphore_mem>>
      %dma_start3A = arith.constant 0 : i32
      %dma_start3A_39 = tpu.memref_slice %arg4[%arg0, %mul3A_38, %dma_start3A] : memref<2x10112x128xf32, #tpu.memory_space<hbm>> -> memref<1x632x128xf32, #tpu.memory_space<hbm>>
      %dma_start3A_40 = tpu.memref_squeeze %dma_start3A_39 : memref<1x632x128xf32, #tpu.memory_space<hbm>> -> memref<632x128xf32, #tpu.memory_space<hbm>>
      %dma_start3A_41 = arith.constant 0 : i32
      %dma_start3A_42 = tpu.memref_slice %arg14[%mul3A_36, %dma_start3A_41] : memref<10112x128xf32, #tpu.memory_space<vmem_shared>> -> memref<632x128xf32, #tpu.memory_space<vmem_shared>>
      tpu.enqueue_dma source(%dma_start3A_42 : memref<632x128xf32, #tpu.memory_space<vmem_shared>>) target(%dma_start3A_40 : memref<632x128xf32, #tpu.memory_space<hbm>>) target_semaphore(%run_scoped3A : memref<!tpu.dma_semaphore, #tpu.memory_space<semaphore_mem>>)
      %dma_wait3A = arith.constant 0 : i32
      %dma_wait3A_43 = tpu.memref_slice %arg4[%arg0, %mul3A_38, %dma_wait3A] : memref<2x10112x128xf32, #tpu.memory_space<hbm>> -> memref<1x632x128xf32, #tpu.memory_space<hbm>>
      %dma_wait3A_44 = tpu.memref_squeeze %dma_wait3A_43 : memref<1x632x128xf32, #tpu.memory_space<hbm>> -> memref<632x128xf32, #tpu.memory_space<hbm>>
      %dma_wait3A_45 = arith.constant 0 : i32
      %dma_wait3A_46 = tpu.memref_slice %arg14[%mul3A_36, %dma_wait3A_45] : memref<10112x128xf32, #tpu.memory_space<vmem_shared>> -> memref<632x128xf32, #tpu.memory_space<vmem_shared>>
      tpu.wait_dma2 semaphore(%run_scoped3A : memref<!tpu.dma_semaphore, #tpu.memory_space<semaphore_mem>>) src(%dma_wait3A_46 : memref<632x128xf32, #tpu.memory_space<vmem_shared>>) dst(%dma_wait3A_44 : memref<632x128xf32, #tpu.memory_space<hbm>>)
      tpu.yield
    }) : () -> ()
    return
  }
}

</mosaic_0001>

<sc_bundles>
// kernel: _sc_scatter.3.cloned.1.call-start
scs
__scs_entry_jumppad:
0x0: {  	(pc) =	sbr.rel $0x88, $3  }
0x1: {  	(tag) =	ssettag $0x0;
	lr =	simm.s32 $0x1  }
0x2: {  	[smem:$0x3F9F] =	sst lr;
	_ =	strace $0xD0000000  }
0x3: {  	_ = 	snop  }
0x4: {  	_ = 	snop  }
0x5: {  	_ = 	snop  }
0x6: {  	_ = 	snop  }
0x7: {  	_ = 	snop  }
__scs_overlays_trampoline_lowered:
0x8: {  	[smem:$0x3FAE] =	sst s0  }
0x9: {  	[smem:$0x3FAF] =	sst s1  }
0xa: {  	[smem:$0x3FB0] =	sst s2  }
0xb: {  	[smem:$0x3FB1] =	sst s3  }
0xc: {  	[smem:$0x3FB2] =	sst s4  }
0xd: {  	[smem:$0x3FB3] =	sst s5  }
0xe: {  	[smem:$0x3FB4] =	sst s6  }
0xf: {  	[smem:$0x3FB5] =	sst s7  }
0x10: {  	[smem:$0x3FB6] =	sst s8  }
0x11: {  	[smem:$0x3FB7] =	sst s9;
	s0 =	simm.s32 @!p0 $0x0  }
0x12: {  	s1 =	sld [smem:$0x3F9D];
	s0 =	simm.s32 @p0 $0x1  }
0x13: {  	[smem:$0x3FB8] =	sst s0;
	s0 =	simm.s32 @!p1 $0x0  }
0x14: {  	s2 =	sld [smem:$0x3F9C];
	s0 =	simm.s32 @p1 $0x1  }
0x15: {  	[smem:$0x3FB9] =	sst s0;
	s0 =	simm.s32 @!p2 $0x0  }
0x16: {  	s3 =	sld [smem:$0x3FDB];
	s0 =	simm.s32 @p2 $0x1  }
0x17: {  	s4 =	simm.s32 $0x1BF5;
	[smem:$0x3FBB] =	sst s0  }
0x18: {  	s0 =	sld [smem:$0x3F9E];
	_ =	swait.ge [sflag:s4], $0x0  }
0x19: {  	s7 =	sld [smem:$0x3F9F]  }
0x1a: {  	s8 =	sadd.s32 $0xFFFFE003, lr  }
0x1b: {  	s9 =	sadd.s32 $0xFFFFFEF7, lr;
	s5 =	simm.s32 $0xFFFFFFFF;
	p2 =	slt.u32 s8, $0xFFFFF086  }
0x1c: {  	p1 =	slt.u32 s9, $0xF7A;
	s5 =	simm.s32 @!p2 $0x0  }
0x1d: {  	s5 =	simm.s32 @p1 $0x1;
	p0 =	seq.s32 s7, s2  }
0x1e: {  	s7 =	smul.u32 @!p0 $0xF7A, s2;
	p2 =	seq.s32 @!p0 s5, $0x0  }
0x1f: {  	s9 =	smul.u32 $0xF7A, s1;
	s8 =	simm.s32 @!p0 $0x1BF5;
	p2 =	por !p2, p0  }
0x20: {  	[sflag:s8] =	ssyncset.s32 @!p0 $0xFFFFF086;
	s6 =	sadd.s32 @!p0 s3, s7;
	s7 =	simm.s32 @!p0 $0x108  }
0x21: {  	s3 =	sadd.s32 s3, s9;
	s6 =	sadd.s32 @!p0 $0x88, s6;
	s7 =	simm.s32 @p2 $0x1082  }
0x22: {  	[simem:s7], [sflag:s8] =	dma.local @!p0 [hbm:s6], $0xF7A  }
0x23: {  	s9 =	sor.u32 $0xD0000000, s2;
	s6 =	simm.s32 $0x108;
	_ =	swait.ge @!p0 [sflag:s8], $0x0  }
0x24: {  	s3 =	sadd.s32 $0x88, s3;
	s6 =	simm.s32 @!p1 $0x1082;
	[sflag:s4] =	ssyncset.s32 $0xFFFFF086  }
0x25: {  	[simem:s6], [sflag:s4] =	dma.local [hbm:s3], $0xF7A  }
0x26: {  	[smem:$0x3F9F] =	sst s1;
	(tag) =	ssettag s2;
	_ =	strace s9  }
0x27: {  	s1 =	sld [smem:$0x3FAF]  }
0x28: {  	s2 =	sld [smem:$0x3FB0]  }
0x29: {  	s4 =	sld [smem:$0x3FB2]  }
0x2a: {  	p0 =	seq.s32 s5, $0x0;
	s5 =	sld [smem:$0x3FB3]  }
0x2b: {  	s6 =	sld [smem:$0x3FB4]  }
0x2c: {  	s7 =	sld [smem:$0x3FB5]  }
0x2d: {  	s3 =	simm.s32 $0x108;
	s8 =	sld [smem:$0x3FB6]  }
0x2e: {  	s3 =	simm.s32 @!p0 $0x1082;
	s9 =	sld [smem:$0x3FB7]  }
0x2f: {  	lr =	sadd.s32 s0, s3;
	s0 =	sld [smem:$0x3FAE]  }
0x30: {  	s3 =	sld [smem:$0x3FB1]  }
0x31: {  	[smem:$0x3FBA] =	sst s10  }
0x32: {  	s10 =	sld [smem:$0x3FB8];
	_ =	sdelay $0x3  }
0x33: {  	p0 =	seq.s32 s10, $0x1;
	s10 =	sld [smem:$0x3FBA];
	_ =	sdelay $0x3  }
0x34: {  	[smem:$0x3FBA] =	sst s10  }
0x35: {  	s10 =	sld [smem:$0x3FB9];
	_ =	sdelay $0x3  }
0x36: {  	p1 =	seq.s32 s10, $0x1;
	s10 =	sld [smem:$0x3FBA];
	_ =	sdelay $0x3  }
0x37: {  	[smem:$0x3FBA] =	sst s10  }
0x38: {  	s10 =	sld [smem:$0x3FBB]  }
0x39: {  	_ = 	snop;
	(pc) =	sbr.ind lr, $3  }
0x3a: {  	_ = 	snop  }
0x3b: {  	_ = 	snop  }
0x3c: {  	p2 =	seq.s32 s10, $0x1;
	s10 =	sld [smem:$0x3FBA]  }
0x3d: {  	_ =	shalt  }
0x3e: {  	_ =	shalt  }
0x3f: {  	_ =	shalt  }
0x40: {  	_ =	shalt  }
0x41: {  	_ =	shalt  }
0x42: {  	_ =	shalt  }
0x43: {  	_ =	shalt  }
0x44: {  	_ =	shalt  }
0x45: {  	_ =	shalt  }
0x46: {  	_ =	shalt  }
0x47: {  	_ =	shalt  }
0x48: {  	_ =	shalt  }
0x49: {  	_ =	shalt  }
0x4a: {  	_ =	shalt  }
0x4b: {  	_ =	shalt  }
0x4c: {  	_ =	shalt  }
0x4d: {  	_ =	shalt  }
0x4e: {  	_ =	shalt  }
0x4f: {  	_ =	shalt  }
0x50: {  	_ =	shalt  }
0x51: {  	_ =	shalt  }
0x52: {  	_ =	shalt  }
0x53: {  	_ =	shalt  }
0x54: {  	_ =	shalt  }
0x55: {  	_ =	shalt  }
0x56: {  	_ =	shalt  }
0x57: {  	_ =	shalt  }
0x58: {  	_ =	shalt  }
0x59: {  	_ =	shalt  }
0x5a: {  	_ =	shalt  }
0x5b: {  	_ =	shalt  }
0x5c: {  	_ =	shalt  }
0x5d: {  	_ =	shalt  }
0x5e: {  	_ =	shalt  }
0x5f: {  	_ =	shalt  }
0x60: {  	_ =	shalt  }
0x61: {  	_ =	shalt  }
0x62: {  	_ =	shalt  }
0x63: {  	_ =	shalt  }
0x64: {  	_ =	shalt  }
0x65: {  	_ =	shalt  }
0x66: {  	_ =	shalt  }
0x67: {  	_ =	shalt  }
0x68: {  	_ =	shalt  }
0x69: {  	_ =	shalt  }
0x6a: {  	_ =	shalt  }
0x6b: {  	_ =	shalt  }
0x6c: {  	_ =	shalt  }
0x6d: {  	_ =	shalt  }
0x6e: {  	_ =	shalt  }
0x6f: {  	_ =	shalt  }
0x70: {  	_ =	shalt  }
0x71: {  	_ =	shalt  }
0x72: {  	_ =	shalt  }
0x73: {  	_ =	shalt  }
0x74: {  	_ =	shalt  }
0x75: {  	_ =	shalt  }
0x76: {  	_ =	shalt  }
0x77: {  	_ =	shalt  }
0x78: {  	_ =	shalt  }
0x79: {  	_ =	shalt  }
0x7a: {  	_ =	shalt  }
0x7b: {  	_ =	shalt  }
0x7c: {  	_ =	shalt  }
0x7d: {  	_ =	shalt  }
0x7e: {  	_ =	shalt  }
0x7f: {  	_ =	shalt  }
0x80: {  	_ =	shalt  }
0x81: {  	_ =	shalt  }
0x82: {  	_ =	shalt  }
0x83: {  	_ =	shalt  }
0x84: {  	_ =	shalt  }
0x85: {  	_ =	shalt  }
0x86: {  	_ =	shalt  }
0x87: {  	_ =	shalt  }
.Lfunc_end0:
.L_simem_size_0:
called_computation_lowered:
.L_overlay_start_0:
0x88: {  	s2 =	sld [smem:$0x3FD9]  }
0x89: {  	s3 =	sld [smem:$0x3FFE];
	_ =	sdelay $0x1  }
0x8a: {  	s1 =	srdreg.scid  }
0x8b: {  	s0 =	sand.u32 $0x1, s1  }
0x8c: {  	s17 =	sshll.u32 s0, $0xA;
	s2 =	sadd.s32 s3, s2  }
0x8d: {  	s2 =	sadd.s32 s2, s17  }
0x8e: {  	[smem:$0x3FC6] =	sst s2  }
0x8f: {  	_ = 	snop  }
0x90: {  	s2 =	sld [smem:$0x3FC9]  }
0x91: {  	s18 =	sld [smem:$0x3FD0];
	(tm) =	ssettm $0x1  }
0x92: {  	s4 =	sld [smem:$0x3FFB];
	_ =	sdelay $0x3  }
0x93: {  	_ =	strace s4  }
0x94: {  	s4 =	sld [smem:$0x3FFC];
	_ =	sdelay $0x3  }
0x95: {  	_ =	strace s4  }
0x96: {  	s4 =	sld [smem:$0x3FFD];
	_ =	sdelay $0x3  }
0x97: {  	_ =	strace s4  }
0x98: {  	_ =	strace $0x8FFFFFFF  }
0x99: {  	s19 =	sld [smem:$0x3FDB];
	_ =	sdelay $0x1  }
0x9a: {  	s5 =	simm.s32 $_scs_section_size  }
0x9b: {  	s6 =	simm.s32 $_size__tile_overlayer_lowered;
	s7 =	simm.s32 $_tile_overlayer_lowered  }
0x9c: {  	s22 =	simm.s32 $0x1BFF;
	s21 =	sshll.u32 s7, $0x1;
	s4 =	sadd.s32 s5, s19  }
0x9d: {  	s8 =	simm.s32 $0x0;
	s20 =	sshll.u32 s6, $0x1;
	s6 =	sadd.s32 s21, s4  }
0x9e: {  	[timem:s8], [sflag:s22] =	dma.local [hbm:s6], s20  }
0x9f: {  	_ =	swait.ge [sflag:s22], s20  }
0xa0: {  	s5 =	ssub.s32 $0x0, s20;
	[sflag:s22] =	ssyncset.done $0x0  }
0xa1: {  	[sflag:s22] =	ssyncadd.s32 s5;
	_ =	sdelay $0x1  }
0xa2: {  	s23 =	simm.s32 $0x1B8B  }
0xa3: {  	_ =	swait.ge [sflag:s23], $0x1  }
0xa4: {  	[sflag:s23] =	ssyncset.done $0x0  }
0xa5: {  	s25 =	simm.s32 $0x1B8E;
	s24 =	sld [smem:$0x3FFE];
	[sflag:s23] =	ssyncadd.s32 $0xFFFFFFFF  }
0xa6: {  	s26 =	simm.s32 $execute0_lowered;
	[smem:$0x3FD2] =	sst s25  }
0xa7: {  	s6 =	sshll.u32 s26, $0x1;
	_ =	strace $0x80000046;
	[dreg:$0x1] =	wrdreg $0xFFFFFFFF  }
0xa8: {  	s28 =	simm.s32 $_size_execute0_lowered;
	s4 =	sadd.s32 s4, s6;
	[dreg:$0x0] =	wrdreg $0x0  }
0xa9: {  	s6 =	sshll.u32 s28, $0x1;
	[dreg:$0x2] =	wrdreg s4  }
0xaa: {  	[dreg:$0x3] =	wrdreg s6  }
0xab: {  	[dreg:$0x4] =	wrdreg $0xC0  }
0xac: {  	_ =	task [dreg:s8], $0x5FFFF  }
0xad: {  	[dreg:$0x1] =	wrdreg $0xFFFFFFFF  }
0xae: {  	[dreg:$0x0] =	wrdreg $0x60  }
0xaf: {  	[dreg:$0x2] =	wrdreg s2  }
0xb0: {  	[dreg:$0x3] =	wrdreg s24  }
0xb1: {  	[dreg:$0x4] =	wrdreg s18  }
0xb2: {  	[dreg:$0x5] =	wrdreg $0xBA000  }
0xb3: {  	[dreg:$0x6] =	wrdreg $0x9  }
0xb4: {  	_ =	task.clear_ibuf [dreg:s8], $0x7FFFF;
	_ =	strace $0x90000046  }
0xb5: {  	s29 =	simm.s32 $0x9;
	_ =	strace $0x80000048  }
0xb6: {  	_ =	swait.ge [sflag:s29], $0x1  }
0xb7: {  	[sflag:s29] =	ssyncadd.s32 $0xFFFFFFFF  }
0xb8: {  	_ =	strace $0x90000048  }
0xb9: {  	_ =	sfence  }
0xba: {  	s30 =	sld [smem:$0x0];
	_ =	sdelay $0x2  }
0xbb: {  	s31 =	sshll.u32 s1, $0xD;
	s1 =	sshrl.u32 s1, $0x2  }
0xbc: {  	s3 =	sand.u32 $0x4000, s31;
	s1 =	sadd.s32 s1, s30  }
0xbd: {  	s0 =	sor.u32 s3, s0;
	s1 =	sshll.u32 s1, $0x11  }
0xbe: {  	s0 =	sor.u32 s1, s0  }
0xbf: {  	s0 =	sadd.s32 $0x8F2B, s0  }
0xc0: {  	[sflag:s0] =	ssyncadd.remote.s32 $0x1  }
0xc1: {  	_ =	sfence.sel $0xFFFF  }
0xc2: {  	[dreg:$0x0] =	wrdreg $0xFFFFFFFF;
	(pc) =	sbr.abs _section_cstart, $3  }
0xc3: {  	[dreg:$0x1] =	wrdreg $0xFFFFFFFF  }
0xc4: {  	_ =	task.clear_ibuf [dreg:s8], $0x2FFFF;
	_ =	strace $0x9FFFFFFF  }
0xc5: {  	(tm) =	ssettm $0x7FFFFFFF  }
tec
execute0_lowered:
.L_overlay_start_1:
0x0: {  	(tag) =	ssettag $0x1  }
0x1: {  	s1 =	rddreg [dreg:$0x0]  }
0x2: {  	s0 =	rddreg [dreg:$0x1]  }
0x3: {  	s2 =	rddreg [dreg:$0x2]  }
0x4: {  	s3 =	rddreg [dreg:$0x3];
	s11 =	stileid.u32  }
0x5: {  	s5 =	srdreg.scid;
	s4 =	simm.s32 $0x0;
	s6 =	smul.u32 $0x4F000, s11  }
0x6: {  	s28 =	simm.s32 $0x300;
	s29 =	simm.s32 $0x1;
	s26 =	smul.u32 $0x7500, s11  }
0x7: {  	s30 =	simm.s32 $0x78;
	s31 =	simm.s32 $0x400;
	s13 =	smul.u32 $0xEA0, s11  }
0x8: {  	s5 =	sand.u32 $0x1, s5;
	[smem:$0x7FF] =	sst s4;
	s14 =	smul.u32 $0x640, s11  }
0x9: {  	s0 =	sadd.s32 $0x400, s0;
	s18 =	smul.u32 $0x13C00, s11;
	s7 =	ssub.s32 $0x2, s5  }
0xa: {  	_ =	strace $0x80000047;
	p0 =	seq.s32 s5, $0x1;
	s5 =	smul.u32 $0x13C000, s5  }
0xb: {  	s8 =	sshrl.u32 s7, $0x1;
	s6 =	sshrl.u32 s6, $0x2;
	s19 =	sadd.s32 s0, s14  }
0xc: {  	s14 =	simm.s32 $0x0;
	s7 =	ssub.s32 s7, s8;
	s9 =	sadd.s32 s6, s3  }
0xd: {  	s20 =	sadd.s32 $0xEA00, s19;
	s5 =	sadd.s32 s18, s5;
	[dreg:$0x5] =	wrdreg s9  }
0xe: {  	s18 =	simm.s32 $0x8;
	s6 =	sadd.s32 $0x3C00, s9;
	[dreg:$0xf] =	wrdreg s20  }
0xf: {  	s8 =	simm.s32 $0x5;
	s25 =	sadd.s32 $0x7800, s9;
	[dreg:$0x6] =	wrdreg s6  }
0x10: {  	s10 =	sadd.s32 $0xB400, s9;
	s12 =	sadd.s32 $0xF000, s9;
	[dreg:$0x7] =	wrdreg s25  }
0x11: {  	s9 =	sadd.s32 $0x12C00, s9;
	s23 =	sshrl.u32 s5, $0x3;
	[dreg:$0x8] =	wrdreg s10  }
0x12: {  	s24 =	smax.u32 s7, $0x1;
	s7 =	simm.s32 $0xB;
	[dreg:$0x9] =	wrdreg s12  }
0x13: {  	s5 =	simm.s32 $0x580;
	[dreg:$0xa] =	wrdreg s9;
	s6 =	sshrl.u32 s26, $0x3  }
0x14: {  	s10 =	smul.u32 $0x3200, s11;
	s12 =	sadd.s32 s0, s13;
	[dreg:$0x14] =	wrdreg s24  }
0x15: {  	s26 =	sadd.s32 $0xEA80, s19;
	s24 =	simm.s32 $0xD;
	s13 =	simm.s32 $0x7  }
0x16: {  	s11 =	simm.s32 $0x4;
	s19 =	simm.s32 $0x6;
	[dreg:$0xb] =	wrdreg s12  }
0x17: {  	s6 =	sadd.s32 s0, s6;
	s25 =	sadd.s32 $0x80, s12;
	[dreg:$0x16] =	wrdreg s26  }
0x18: {  	s26 =	simm.s32 $0x200;
	s12 =	simm.s32 $0x4200;
	s15 =	sadd.s32 $0x20, s6  }
0x19: {  	s16 =	sadd.s32 $0x40, s6;
	s17 =	sshrl.u32 s10, $0x3;
	[dreg:$0x15] =	wrdreg s25  }
0x1a: {  	s6 =	sadd.s32 $0x60, s6;
	s25 =	simm.s32 $0x100;
	[dreg:$0xc] =	wrdreg s15  }
0x1b: {  	s10 =	simm.s32 $0xC;
	[dreg:$0xd] =	wrdreg s16;
	s0 =	sadd.s32 s0, s17  }
0x1c: {  	[dreg:$0xe] =	wrdreg s6;
	s15 =	simm.s32 $0x500;
	s21 =	sadd.s32 $0xEA20, s0  }
.Ltmp0:
0x1d: {  	s22 =	sadd.s32 $0xEA40, s0;
	[dreg:$0x10] =	wrdreg s21;
	(pc) =	sbr.rel .LBB2_1-.Ltmp0, $4  }
0x1e: {  	s16 =	simm.s32 $0x3;
	s0 =	sadd.s32 $0xEA60, s0;
	[dreg:$0x11] =	wrdreg s22  }
0x1f: {  	s17 =	simm.s32 $0x7E00;
	s6 =	simm.s32 $0x280;
	[dreg:$0x12] =	wrdreg s0  }
0x20: {  	s0 =	sadd.s32 s2, s23;
	s23 =	simm.s32 $0x600;
	s22 =	simm.s32 $0xA  }
0x21: {  	v0 =	vimm.f32 $0.0e+00;
	s2 =	simm.s32 $0x9;
	[dreg:$0x13] =	wrdreg s0;
	s0 =	simm.s32 $0x2  }
.LBB2_80:
0x22: {  	s9 =	simm.s32 $0xB;
	s20 =	simm.s32 $0xA  }
.LBB2_81:
0x23: {  	_ =	swait.ge [sflag:s20], $0x3C00  }
0x24: {  	[sflag:s20] =	ssyncset.done $0x0  }
0x25: {  	[sflag:s20] =	ssyncadd.s32 $0xFFFFC400  }
0x26: {  	_ =	swait.ge [sflag:s9], $0x3C00  }
0x27: {  	[sflag:s9] =	ssyncset.done $0x0  }
0x28: {  	[sflag:s9] =	ssyncadd.s32 $0xFFFFC400  }
0x29: {  	s20 =	stileid.u32;
	[bflag:$0x0] =	sbarrier.arrive $0xFFFF  }
0x2a: {  	s9 =	sshll.u32 s20, $0x6;
	s21 =	rddreg [dreg:$0x5]  }
0x2b: {  	s9 =	sor.u32 $0x1C0D, s9;
	s20 =	sshrl.u32 s21, $0x3;
	s21 =	rddreg [dreg:$0x13]  }
0x2c: {  	[hbm:s21], [sflag:s9] =	dma.local [spmem:s20], $0x2780  }
0x2d: {  	_ =	swait.ge [sflag:s24], $0x2780  }
0x2e: {  	s14 =	sadd.s32 $0x1, s14;
	s21 =	rddreg [dreg:$0x14]  }
0x2f: {  	p1 =	sne.s32 s14, s21  }
.Ltmp1:
0x30: {  	_ = 	snop;
	(pc) =	sbr.rel @!p1 .LBB2_82-.Ltmp1, $3  }
0x31: {  	_ =	sdelay $0x1  }
0x32: {  	[sflag:s24] =	ssyncset.done $0x0  }
0x33: {  	[sflag:s24] =	ssyncadd.s32 $0xFFFFD880  }
.LBB2_1:
0x34: {  	s9 =	simm.s32 $0x0;
	s21 =	simm.s32 $0x200  }
.LBB2_2:
0x35: {  	p1 =	sne.s32 s21, $0xEE00;
	[tilespmem:s9+$0x670] =	vst v0  }
0x36: {  	[tilespmem:s9+$0x600] =	vst v0  }
0x37: {  	[tilespmem:s9+$0x610] =	vst v0  }
.Ltmp2:
0x38: {  	[tilespmem:s9+$0x620] =	vst v0;
	(pc) =	sbr.rel @p1 .LBB2_2-.Ltmp2, $4  }
0x39: {  	[tilespmem:s9+$0x630] =	vst v0  }
0x3a: {  	[tilespmem:s9+$0x640] =	vst v0  }
0x3b: {  	[tilespmem:s9+$0x650] =	vst v0  }
0x3c: {  	[tilespmem:s9+$0x660] =	vst v0;
	s9 =	sshra.s32 s21, $0x2;
	s21 =	sadd.s32 $0x200, s21  }
0x3d: {  	[tilespmem:s9+$0x670] =	vst v0  }
0x3e: {  	[tilespmem:s9+$0x600] =	vst v0  }
0x3f: {  	[tilespmem:s9+$0x610] =	vst v0  }
0x40: {  	[tilespmem:s9+$0x620] =	vst v0  }
0x41: {  	[tilespmem:s9+$0x630] =	vst v0  }
0x42: {  	[tilespmem:s9+$0x640] =	vst v0  }
0x43: {  	[tilespmem:s9+$0x650] =	vst v0  }
0x44: {  	[tilespmem:s9+$0x660] =	vst v0;
	s20 =	rddreg [dreg:$0x5]  }
0x45: {  	[spmem:s20] =	stream.linear.scatter [tilespmem:s23], [sflag:$0xD], $0x3C00, $0x38;
	[tilespmem:$0x1F600] =	vst v63  }
0x46: {  	_ =	swait.ge [sflag:s24], $0x3C00  }
0x47: {  	[sflag:s24] =	ssyncset.done $0x0  }
0x48: {  	s21 =	rddreg [dreg:$0x6];
	[sflag:s24] =	ssyncadd.s32 $0xFFFFC400  }
0x49: {  	[spmem:s21] =	stream.linear.scatter [tilespmem:s23], [sflag:$0xD], $0x3C00, $0x38;
	[tilespmem:$0x1F600] =	vst v63  }
0x4a: {  	_ =	swait.ge [sflag:s24], $0x3C00  }
0x4b: {  	[sflag:s24] =	ssyncset.done $0x0  }
0x4c: {  	s20 =	rddreg [dreg:$0x7];
	[sflag:s24] =	ssyncadd.s32 $0xFFFFC400  }
0x4d: {  	[spmem:s20] =	stream.linear.scatter [tilespmem:s23], [sflag:$0xD], $0x3C00, $0x38;
	[tilespmem:$0x1F600] =	vst v63  }
0x4e: {  	_ =	swait.ge [sflag:s24], $0x3C00  }
0x4f: {  	[sflag:s24] =	ssyncset.done $0x0  }
0x50: {  	s21 =	rddreg [dreg:$0x8];
	[sflag:s24] =	ssyncadd.s32 $0xFFFFC400  }
0x51: {  	[spmem:s21] =	stream.linear.scatter [tilespmem:s23], [sflag:$0xD], $0x3C00, $0x38;
	[tilespmem:$0x1F600] =	vst v63  }
0x52: {  	_ =	swait.ge [sflag:s24], $0x3C00  }
0x53: {  	[sflag:s24] =	ssyncset.done $0x0  }
0x54: {  	s20 =	rddreg [dreg:$0x9];
	[sflag:s24] =	ssyncadd.s32 $0xFFFFC400  }
0x55: {  	[spmem:s20] =	stream.linear.scatter [tilespmem:s23], [sflag:$0xD], $0x3C00, $0x38;
	[tilespmem:$0x1F600] =	vst v63  }
0x56: {  	_ =	swait.ge [sflag:s24], $0x3C00  }
0x57: {  	[sflag:s24] =	ssyncset.done $0x0  }
0x58: {  	s21 =	rddreg [dreg:$0xa];
	[sflag:s24] =	ssyncadd.s32 $0xFFFFC400  }
0x59: {  	[spmem:s21] =	stream.linear.scatter [tilespmem:s23], [sflag:$0xD], $0x1000, $0x38;
	[tilespmem:$0x1F600] =	vst v63  }
.Ltmp3:
0x5a: {  	_ =	swait.ge [sflag:s24], $0x1000;
	(pc) =	sbr.rel @!p0 .LBB2_4-.Ltmp3, $4  }
0x5b: {  	[sflag:s24] =	ssyncset.done $0x0  }
0x5c: {  	[sflag:s24] =	ssyncadd.s32 $0xFFFFF000  }
0x5d: {  	[bflag:$0x0] =	sbarrier.arrive $0xFFFF  }
0x5e: {  	s21 =	simm.s32 $0x0  }
0x5f: {  	s9 =	rddreg [dreg:$0xf]  }
0x60: {  	[tilespmem:s21], [sflag:$0x1] =	stream.linear.gather [hbm4b:s9+s21], $0x100, $0x38;
	[tilespmem:$0x1F600] =	vst v63  }
0x61: {  	s20 =	rddreg [dreg:$0x10]  }
0x62: {  	[tilespmem:s25], [sflag:$0x2] =	stream.linear.gather [hbm4b:s20+s21], $0x100, $0x38;
	[tilespmem:$0x1F600] =	vst v63  }
0x63: {  	s20 =	rddreg [dreg:$0x11]  }
0x64: {  	[tilespmem:s26], [sflag:$0x3] =	stream.linear.gather [hbm4b:s20+s21], $0x100, $0x38;
	[tilespmem:$0x1F600] =	vst v63  }
0x65: {  	s20 =	rddreg [dreg:$0x12]  }
0x66: {  	[tilespmem:s28], [sflag:$0x4] =	stream.linear.gather [hbm4b:s20+s21], $0x100, $0x38;
	[tilespmem:$0x1F600] =	vst v63  }
.Ltmp4:
0x67: {  	_ = 	snop;
	(pc) =	sbr.rel .LBB2_44-.Ltmp4, $4  }
0x68: {  	_ =	swait.ge [sflag:s29], $0x100  }
0x69: {  	[sflag:s29] =	ssyncset.done $0x0  }
0x6a: {  	s9 =	rddreg [dreg:$0x16];
	[sflag:s29] =	ssyncadd.s32 $0xFFFFFF00  }
0x6b: {  	[tilespmem:s23], [sflag:$0x7] =	stream.indirect.gather [hbm4b:s1+s30], $0x80, s21, s30, $0xb8;
	[tilespmem:$0x1F600] =	vst v63  }
.LBB2_67:
0x6c: {  	[tilespmem:s25], [sflag:$0x2] =	stream.linear.gather [hbm4b:s9+s4], $0x100, $0x38;
	[tilespmem:$0x1F600] =	vst v63  }
.LBB2_69:
0x6d: {  	_ =	swait.ge [sflag:s8], $0x100  }
0x6e: {  	[sflag:s8] =	ssyncset.done $0x0  }
0x6f: {  	[sflag:s8] =	ssyncadd.s32 $0xFFFFFF00  }
0x70: {  	[tilespmem:s12], [sflag:$0x8] =	stream.indirect.gather [hbm4b:s1+s30], $0x80, s31, s30, $0xb8;
	[tilespmem:$0x1F600] =	vst v63  }
.LBB2_70:
0x71: {  	_ =	swait.ge [sflag:s13], $0x3C00  }
0x72: {  	[sflag:s13] =	ssyncset.done $0x0  }
0x73: {  	s20 =	simm.s32 $0x380;
	[sflag:s13] =	ssyncadd.s32 $0xFFFFC400  }
0x74: {  	[spmem:s3] =	stream.indirect.scatter.add.f32 [tilespmem:s23], [sflag:$0xA], $0x80, s20, s30, $0xb8;
	[tilespmem:$0x1F600] =	vst v63  }
.LBB2_79:
0x75: {  	s21 =	sadd.s32 $0x1, s21  }
0x76: {  	p1 =	sne.s32 s21, $0x32  }
.Ltmp5:
0x77: {  	_ = 	snop;
	(pc) =	sbr.rel @!p1 .LBB2_80-.Ltmp5, $2  }
0x78: {  	_ =	sdelay $0x2  }
0x79: {  	s9 =	sadd.s32 $0x20, s9  }
.LBB2_44:
0x7a: {  	s20 =	smul.u32 $0xAB, s21;
	_ =	sdelay $0x1  }
0x7b: {  	s20 =	sshrl.u32 s20, $0xA  }
0x7c: {  	s20 =	sand.u32 $0x3F, s20  }
0x7d: {  	s20 =	smul.u32 $0x6, s20;
	_ =	sdelay $0x1  }
0x7e: {  	s20 =	ssub.s32 s21, s20  }
0x7f: {  	s20 =	sand.u32 $0xFF, s20  }
0x80: {  	p1 =	sgt.s32 s20, $0x2  }
.Ltmp6:
0x81: {  	_ = 	snop;
	(pc) =	sbr.rel @p1 .LBB2_49-.Ltmp6, $1  }
0x82: {  	_ =	sdelay $0x3  }
0x83: {  	p1 =	seq.s32 s20, $0x0  }
.Ltmp7:
0x84: {  	_ = 	snop;
	(pc) =	sbr.rel @p1 .LBB2_53-.Ltmp7, $1  }
0x85: {  	_ =	sdelay $0x3  }
0x86: {  	p1 =	seq.s32 s20, $0x1  }
.Ltmp8:
0x87: {  	_ = 	snop;
	(pc) =	sbr.rel @!p1 .LBB2_61-.Ltmp8, $1  }
0x88: {  	_ =	sdelay $0x3  }
0x89: {  	p1 =	slt.u32 s21, $0x2  }
0x8a: {  	p2 =	sgt.u32 @!p1 s21, $0x2D  }
0x8b: {  	p2 =	por p1, !p2  }
.Ltmp9:
0x8c: {  	_ = 	snop;
	(pc) =	sbr.rel @!p2 .LBB2_58-.Ltmp9, $4  }
0x8d: {  	s20 =	simm.s32 @!p1 $0xC  }
0x8e: {  	_ =	swait.ge @!p1 [sflag:s20], $0x3C00  }
0x8f: {  	[sflag:s20] =	ssyncset.done @!p1 $0x0  }
0x90: {  	[sflag:s20] =	ssyncadd.s32 @!p1 $0xFFFFC400  }
.Ltmp10:
0x91: {  	(pc) =	sbr.rel .LBB2_59-.Ltmp10, $2  }
0x92: {  	_ =	sdelay $0x2  }
0x93: {  	[tilespmem:s15], [sflag:$0x6] =	stream.linear.gather [hbm4b:s9+s4], $0x100, $0x38;
	[tilespmem:$0x1F600] =	vst v63  }
.LBB2_49:
0x94: {  	p2 =	seq.s32 s20, $0x3  }
.Ltmp11:
0x95: {  	_ = 	snop;
	(pc) =	sbr.rel @p2 .LBB2_66-.Ltmp11, $2  }
0x96: {  	_ =	sdelay $0x2  }
0x97: {  	p1 =	sgt.u32 s21, $0x2D  }
0x98: {  	p2 =	seq.s32 s20, $0x4  }
.Ltmp12:
0x99: {  	_ = 	snop;
	(pc) =	sbr.rel @!p2 .LBB2_74-.Ltmp12, $1  }
0x9a: {  	_ =	sdelay $0x3  }
.Ltmp13:
0x9b: {  	(pc) =	sbr.rel @p1 .LBB2_71-.Ltmp13, $4  }
0x9c: {  	_ = 	snop  }
0x9d: {  	_ =	swait.ge [sflag:s10], $0x3C00  }
0x9e: {  	[sflag:s10] =	ssyncset.done $0x0  }
0x9f: {  	[sflag:s10] =	ssyncadd.s32 $0xFFFFC400  }
.Ltmp14:
0xa0: {  	(pc) =	sbr.rel .LBB2_72-.Ltmp14, $2  }
0xa1: {  	_ =	sdelay $0x2  }
0xa2: {  	[tilespmem:s26], [sflag:$0x3] =	stream.linear.gather [hbm4b:s9+s4], $0x100, $0x38;
	[tilespmem:$0x1F600] =	vst v63  }
.LBB2_53:
0xa3: {  	p1 =	slt.u32 s21, $0x2  }
0xa4: {  	p2 =	sgt.u32 @!p1 s21, $0x2D  }
0xa5: {  	p2 =	por p1, !p2  }
.Ltmp15:
0xa6: {  	_ = 	snop;
	(pc) =	sbr.rel @!p2 .LBB2_55-.Ltmp15, $4  }
0xa7: {  	s20 =	simm.s32 @!p1 $0xB  }
0xa8: {  	_ =	swait.ge @!p1 [sflag:s20], $0x3C00  }
0xa9: {  	[sflag:s20] =	ssyncset.done @!p1 $0x0  }
0xaa: {  	[sflag:s20] =	ssyncadd.s32 @!p1 $0xFFFFC400  }
.Ltmp16:
0xab: {  	(pc) =	sbr.rel .LBB2_56-.Ltmp16, $2  }
0xac: {  	_ =	sdelay $0x2  }
0xad: {  	[tilespmem:s31], [sflag:$0x5] =	stream.linear.gather [hbm4b:s9+s4], $0x100, $0x38;
	[tilespmem:$0x1F600] =	vst v63  }
.LBB2_66:
.Ltmp17:
0xae: {  	(pc) =	sbr.rel @!p1 .LBB2_67-.Ltmp17, $4  }
0xaf: {  	_ = 	snop  }
0xb0: {  	_ =	swait.ge [sflag:s7], $0x3C00  }
0xb1: {  	[sflag:s7] =	ssyncset.done $0x0  }
0xb2: {  	[sflag:s7] =	ssyncadd.s32 $0xFFFFC400  }
0xb3: {  	p1 =	seq.s32 s21, $0x31  }
.Ltmp18:
0xb4: {  	_ = 	snop;
	(pc) =	sbr.rel @p1 .LBB2_70-.Ltmp18, $4  }
.Ltmp19:
0xb5: {  	_ = 	snop;
	(pc) =	sbr.rel @!p1 .LBB2_69-.Ltmp19, $4  }
0xb6: {  	_ = 	snop  }
0xb7: {  	_ = 	snop  }
0xb8: {  	_ = 	snop  }
0xb9: {  	_ = 	snop  }
.LBB2_61:
0xba: {  	p1 =	sgt.u32 s21, $0x2D  }
.Ltmp20:
0xbb: {  	_ = 	snop;
	(pc) =	sbr.rel @p1 .LBB2_63-.Ltmp20, $4  }
0xbc: {  	_ = 	snop  }
0xbd: {  	_ =	swait.ge [sflag:s22], $0x3C00  }
0xbe: {  	[sflag:s22] =	ssyncset.done $0x0  }
0xbf: {  	[sflag:s22] =	ssyncadd.s32 $0xFFFFC400  }
.Ltmp21:
0xc0: {  	(pc) =	sbr.rel .LBB2_64-.Ltmp21, $2  }
0xc1: {  	_ =	sdelay $0x2  }
0xc2: {  	[tilespmem:s4], [sflag:$0x1] =	stream.linear.gather [hbm4b:s9+s4], $0x100, $0x38;
	[tilespmem:$0x1F600] =	vst v63  }
.LBB2_74:
.Ltmp22:
0xc3: {  	(pc) =	sbr.rel @p1 .LBB2_76-.Ltmp22, $4  }
0xc4: {  	_ = 	snop  }
0xc5: {  	_ =	swait.ge [sflag:s22], $0x3C00  }
0xc6: {  	[sflag:s22] =	ssyncset.done $0x0  }
0xc7: {  	[sflag:s22] =	ssyncadd.s32 $0xFFFFC400  }
.Ltmp23:
0xc8: {  	(pc) =	sbr.rel .LBB2_77-.Ltmp23, $2  }
0xc9: {  	_ =	sdelay $0x2  }
0xca: {  	[tilespmem:s28], [sflag:$0x4] =	stream.linear.gather [hbm4b:s9+s4], $0x100, $0x38;
	[tilespmem:$0x1F600] =	vst v63  }
.LBB2_55:
0xcb: {  	p1 =	seq.s32 s21, $0x31  }
.Ltmp24:
0xcc: {  	_ = 	snop;
	(pc) =	sbr.rel @p1 .LBB2_57-.Ltmp24, $1  }
0xcd: {  	_ =	sdelay $0x3  }
.LBB2_56:
0xce: {  	_ =	swait.ge [sflag:s0], $0x100  }
0xcf: {  	[sflag:s0] =	ssyncset.done $0x0  }
0xd0: {  	[sflag:s0] =	ssyncadd.s32 $0xFFFFFF00  }
0xd1: {  	[tilespmem:s12], [sflag:$0x8] =	stream.indirect.gather [hbm4b:s1+s30], $0x80, s25, s30, $0xb8;
	[tilespmem:$0x1F600] =	vst v63  }
.LBB2_57:
.Ltmp25:
0xd2: {  	(pc) =	sbr.rel .LBB2_79-.Ltmp25, $4  }
0xd3: {  	_ =	swait.ge [sflag:s13], $0x3C00  }
0xd4: {  	[sflag:s13] =	ssyncset.done $0x0  }
0xd5: {  	s20 =	simm.s32 $0x80;
	[sflag:s13] =	ssyncadd.s32 $0xFFFFC400  }
0xd6: {  	[spmem:s3] =	stream.indirect.scatter.add.f32 [tilespmem:s23], [sflag:$0xA], $0x80, s20, s30, $0xb8;
	[tilespmem:$0x1F600] =	vst v63  }
.LBB2_58:
0xd7: {  	p1 =	seq.s32 s21, $0x31  }
.Ltmp26:
0xd8: {  	_ = 	snop;
	(pc) =	sbr.rel @p1 .LBB2_60-.Ltmp26, $1  }
0xd9: {  	_ =	sdelay $0x3  }
.LBB2_59:
0xda: {  	_ =	swait.ge [sflag:s16], $0x100  }
0xdb: {  	[sflag:s16] =	ssyncset.done $0x0  }
0xdc: {  	[sflag:s16] =	ssyncadd.s32 $0xFFFFFF00  }
0xdd: {  	[tilespmem:s17], [sflag:$0x9] =	stream.indirect.gather [hbm4b:s1+s30], $0x80, s26, s30, $0xb8;
	[tilespmem:$0x1F600] =	vst v63  }
.LBB2_60:
.Ltmp27:
0xde: {  	(pc) =	sbr.rel .LBB2_79-.Ltmp27, $4  }
0xdf: {  	_ =	swait.ge [sflag:s18], $0x3C00  }
0xe0: {  	[sflag:s18] =	ssyncset.done $0x0  }
0xe1: {  	s20 =	simm.s32 $0x180;
	[sflag:s18] =	ssyncadd.s32 $0xFFFFC400  }
0xe2: {  	[spmem:s3] =	stream.indirect.scatter.add.f32 [tilespmem:s12], [sflag:$0xB], $0x80, s20, s30, $0xb8;
	[tilespmem:$0x1F600] =	vst v63  }
.LBB2_71:
0xe3: {  	p1 =	seq.s32 s21, $0x31  }
.Ltmp28:
0xe4: {  	_ = 	snop;
	(pc) =	sbr.rel @p1 .LBB2_73-.Ltmp28, $1  }
0xe5: {  	_ =	sdelay $0x3  }
.LBB2_72:
0xe6: {  	_ =	swait.ge [sflag:s19], $0x100  }
0xe7: {  	[sflag:s19] =	ssyncset.done $0x0  }
0xe8: {  	[sflag:s19] =	ssyncadd.s32 $0xFFFFFF00  }
0xe9: {  	[tilespmem:s17], [sflag:$0x9] =	stream.indirect.gather [hbm4b:s1+s30], $0x80, s15, s30, $0xb8;
	[tilespmem:$0x1F600] =	vst v63  }
.LBB2_73:
.Ltmp29:
0xea: {  	(pc) =	sbr.rel .LBB2_79-.Ltmp29, $4  }
0xeb: {  	_ =	swait.ge [sflag:s18], $0x3C00  }
0xec: {  	[sflag:s18] =	ssyncset.done $0x0  }
0xed: {  	s20 =	simm.s32 $0x480;
	[sflag:s18] =	ssyncadd.s32 $0xFFFFC400  }
0xee: {  	[spmem:s3] =	stream.indirect.scatter.add.f32 [tilespmem:s12], [sflag:$0xB], $0x80, s20, s30, $0xb8;
	[tilespmem:$0x1F600] =	vst v63  }
.LBB2_63:
0xef: {  	p1 =	seq.s32 s21, $0x31  }
.Ltmp30:
0xf0: {  	_ = 	snop;
	(pc) =	sbr.rel @p1 .LBB2_65-.Ltmp30, $1  }
0xf1: {  	_ =	sdelay $0x3  }
.LBB2_64:
0xf2: {  	_ =	swait.ge [sflag:s11], $0x100  }
0xf3: {  	[sflag:s11] =	ssyncset.done $0x0  }
0xf4: {  	[sflag:s11] =	ssyncadd.s32 $0xFFFFFF00  }
0xf5: {  	[tilespmem:s23], [sflag:$0x7] =	stream.indirect.gather [hbm4b:s1+s30], $0x80, s28, s30, $0xb8;
	[tilespmem:$0x1F600] =	vst v63  }
.LBB2_65:
.Ltmp31:
0xf6: {  	(pc) =	sbr.rel .LBB2_79-.Ltmp31, $4  }
0xf7: {  	_ =	swait.ge [sflag:s2], $0x3C00  }
0xf8: {  	[sflag:s2] =	ssyncset.done $0x0  }
0xf9: {  	[sflag:s2] =	ssyncadd.s32 $0xFFFFC400  }
0xfa: {  	[spmem:s3] =	stream.indirect.scatter.add.f32 [tilespmem:s17], [sflag:$0xC], $0x80, s6, s30, $0xb8;
	[tilespmem:$0x1F600] =	vst v63  }
.LBB2_76:
0xfb: {  	p1 =	seq.s32 s21, $0x31  }
.Ltmp32:
0xfc: {  	_ = 	snop;
	(pc) =	sbr.rel @p1 .LBB2_78-.Ltmp32, $1  }
0xfd: {  	_ =	sdelay $0x3  }
.LBB2_77:
0xfe: {  	_ =	swait.ge [sflag:s29], $0x100  }
0xff: {  	[sflag:s29] =	ssyncset.done $0x0  }
0x100: {  	[sflag:s29] =	ssyncadd.s32 $0xFFFFFF00  }
0x101: {  	[tilespmem:s23], [sflag:$0x7] =	stream.indirect.gather [hbm4b:s1+s30], $0x80, s4, s30, $0xb8;
	[tilespmem:$0x1F600] =	vst v63  }
.LBB2_78:
.Ltmp33:
0x102: {  	(pc) =	sbr.rel .LBB2_79-.Ltmp33, $4  }
0x103: {  	_ =	swait.ge [sflag:s2], $0x3C00  }
0x104: {  	[sflag:s2] =	ssyncset.done $0x0  }
0x105: {  	[sflag:s2] =	ssyncadd.s32 $0xFFFFC400  }
0x106: {  	[spmem:s3] =	stream.indirect.scatter.add.f32 [tilespmem:s17], [sflag:$0xC], $0x80, s5, s30, $0xb8;
	[tilespmem:$0x1F600] =	vst v63  }
.LBB2_4:
0x107: {  	s9 =	rddreg [dreg:$0xb]  }
0x108: {  	[tilespmem:s21], [sflag:$0x1] =	stream.linear.gather [hbm4b:s9+s21], $0x100, $0x38;
	[tilespmem:$0x1F600] =	vst v63  }
0x109: {  	s20 =	rddreg [dreg:$0xc]  }
0x10a: {  	[tilespmem:s25], [sflag:$0x2] =	stream.linear.gather [hbm4b:s20+s21], $0x100, $0x38;
	[tilespmem:$0x1F600] =	vst v63  }
0x10b: {  	s20 =	rddreg [dreg:$0xd]  }
0x10c: {  	[tilespmem:s26], [sflag:$0x3] =	stream.linear.gather [hbm4b:s20+s21], $0x100, $0x38;
	[tilespmem:$0x1F600] =	vst v63  }
0x10d: {  	s20 =	rddreg [dreg:$0xe]  }
0x10e: {  	[tilespmem:s28], [sflag:$0x4] =	stream.linear.gather [hbm4b:s20+s21], $0x100, $0x38;
	[tilespmem:$0x1F600] =	vst v63  }
.Ltmp34:
0x10f: {  	_ = 	snop;
	(pc) =	sbr.rel .LBB2_5-.Ltmp34, $4  }
0x110: {  	_ =	swait.ge [sflag:s29], $0x100  }
0x111: {  	[sflag:s29] =	ssyncset.done $0x0  }
0x112: {  	s9 =	rddreg [dreg:$0x15];
	[sflag:s29] =	ssyncadd.s32 $0xFFFFFF00  }
0x113: {  	[tilespmem:s23], [sflag:$0x7] =	stream.indirect.gather [hbm4b:s1+s30], $0x80, s21, s30, $0xb8;
	[tilespmem:$0x1F600] =	vst v63  }
.LBB2_29:
0x114: {  	[tilespmem:s25], [sflag:$0x2] =	stream.linear.gather [hbm4b:s9+s4], $0x100, $0x38;
	[tilespmem:$0x1F600] =	vst v63  }
.LBB2_31:
0x115: {  	_ =	swait.ge [sflag:s8], $0x100  }
0x116: {  	[sflag:s8] =	ssyncset.done $0x0  }
0x117: {  	[sflag:s8] =	ssyncadd.s32 $0xFFFFFF00  }
0x118: {  	[tilespmem:s12], [sflag:$0x8] =	stream.indirect.gather [hbm4b:s1+s30], $0x80, s31, s30, $0xb8;
	[tilespmem:$0x1F600] =	vst v63  }
.LBB2_32:
0x119: {  	_ =	swait.ge [sflag:s13], $0x3C00  }
0x11a: {  	[sflag:s13] =	ssyncset.done $0x0  }
0x11b: {  	s20 =	simm.s32 $0x380;
	[sflag:s13] =	ssyncadd.s32 $0xFFFFC400  }
0x11c: {  	[spmem:s3] =	stream.indirect.scatter.add.f32 [tilespmem:s23], [sflag:$0xA], $0x80, s20, s30, $0xb8;
	[tilespmem:$0x1F600] =	vst v63  }
.LBB2_41:
0x11d: {  	s21 =	sadd.s32 $0x1, s21  }
0x11e: {  	p1 =	seq.s32 s21, $0x75  }
.Ltmp35:
0x11f: {  	_ = 	snop;
	(pc) =	sbr.rel @p1 .LBB2_42-.Ltmp35, $2  }
0x120: {  	_ =	sdelay $0x2  }
0x121: {  	s9 =	sadd.s32 $0x20, s9  }
.LBB2_5:
0x122: {  	s20 =	smul.u32 $0xAB, s21;
	_ =	sdelay $0x1  }
0x123: {  	s20 =	sshrl.u32 s20, $0xA  }
0x124: {  	s20 =	sand.u32 $0x3F, s20  }
0x125: {  	s20 =	smul.u32 $0x6, s20;
	_ =	sdelay $0x1  }
0x126: {  	s20 =	ssub.s32 s21, s20  }
0x127: {  	s20 =	sand.u32 $0xFF, s20  }
0x128: {  	p1 =	sgt.s32 s20, $0x2  }
.Ltmp36:
0x129: {  	_ = 	snop;
	(pc) =	sbr.rel @p1 .LBB2_10-.Ltmp36, $1  }
0x12a: {  	_ =	sdelay $0x3  }
0x12b: {  	p2 =	seq.s32 s20, $0x0  }
.Ltmp37:
0x12c: {  	_ = 	snop;
	(pc) =	sbr.rel @p2 .LBB2_14-.Ltmp37, $2  }
0x12d: {  	_ =	sdelay $0x2  }
0x12e: {  	p1 =	slt.u32 s21, $0x2  }
0x12f: {  	p2 =	seq.s32 s20, $0x1  }
.Ltmp38:
0x130: {  	_ = 	snop;
	(pc) =	sbr.rel @!p2 .LBB2_22-.Ltmp38, $1  }
0x131: {  	_ =	sdelay $0x3  }
0x132: {  	p2 =	sgt.u32 @!p1 s21, $0x70  }
0x133: {  	p2 =	por p1, !p2  }
.Ltmp39:
0x134: {  	_ = 	snop;
	(pc) =	sbr.rel @!p2 .LBB2_19-.Ltmp39, $4  }
0x135: {  	s20 =	simm.s32 @!p1 $0xC  }
0x136: {  	_ =	swait.ge @!p1 [sflag:s20], $0x3C00  }
0x137: {  	[sflag:s20] =	ssyncset.done @!p1 $0x0  }
0x138: {  	[sflag:s20] =	ssyncadd.s32 @!p1 $0xFFFFC400  }
.Ltmp40:
0x139: {  	(pc) =	sbr.rel .LBB2_20-.Ltmp40, $2  }
0x13a: {  	_ =	sdelay $0x2  }
0x13b: {  	[tilespmem:s15], [sflag:$0x6] =	stream.linear.gather [hbm4b:s9+s4], $0x100, $0x38;
	[tilespmem:$0x1F600] =	vst v63  }
.LBB2_10:
0x13c: {  	p2 =	seq.s32 s20, $0x3  }
.Ltmp41:
0x13d: {  	_ = 	snop;
	(pc) =	sbr.rel @p2 .LBB2_28-.Ltmp41, $2  }
0x13e: {  	_ =	sdelay $0x2  }
0x13f: {  	p1 =	sgt.u32 s21, $0x70  }
0x140: {  	p2 =	seq.s32 s20, $0x4  }
.Ltmp42:
0x141: {  	_ = 	snop;
	(pc) =	sbr.rel @!p2 .LBB2_36-.Ltmp42, $1  }
0x142: {  	_ =	sdelay $0x3  }
.Ltmp43:
0x143: {  	(pc) =	sbr.rel @p1 .LBB2_33-.Ltmp43, $4  }
0x144: {  	_ = 	snop  }
0x145: {  	_ =	swait.ge [sflag:s10], $0x3C00  }
0x146: {  	[sflag:s10] =	ssyncset.done $0x0  }
0x147: {  	[sflag:s10] =	ssyncadd.s32 $0xFFFFC400  }
.Ltmp44:
0x148: {  	(pc) =	sbr.rel .LBB2_34-.Ltmp44, $2  }
0x149: {  	_ =	sdelay $0x2  }
0x14a: {  	[tilespmem:s26], [sflag:$0x3] =	stream.linear.gather [hbm4b:s9+s4], $0x100, $0x38;
	[tilespmem:$0x1F600] =	vst v63  }
.LBB2_14:
0x14b: {  	p2 =	sgt.u32 @!p1 s21, $0x70  }
0x14c: {  	p2 =	por p1, !p2  }
.Ltmp45:
0x14d: {  	_ = 	snop;
	(pc) =	sbr.rel @!p2 .LBB2_16-.Ltmp45, $4  }
0x14e: {  	s20 =	simm.s32 @!p1 $0xB  }
0x14f: {  	_ =	swait.ge @!p1 [sflag:s20], $0x3C00  }
0x150: {  	[sflag:s20] =	ssyncset.done @!p1 $0x0  }
0x151: {  	[sflag:s20] =	ssyncadd.s32 @!p1 $0xFFFFC400  }
.Ltmp46:
0x152: {  	(pc) =	sbr.rel .LBB2_17-.Ltmp46, $2  }
0x153: {  	_ =	sdelay $0x2  }
0x154: {  	[tilespmem:s31], [sflag:$0x5] =	stream.linear.gather [hbm4b:s9+s4], $0x100, $0x38;
	[tilespmem:$0x1F600] =	vst v63  }
.LBB2_28:
.Ltmp47:
0x155: {  	(pc) =	sbr.rel @!p1 .LBB2_29-.Ltmp47, $4  }
0x156: {  	_ = 	snop  }
0x157: {  	_ =	swait.ge [sflag:s7], $0x3C00  }
0x158: {  	[sflag:s7] =	ssyncset.done $0x0  }
0x159: {  	[sflag:s7] =	ssyncadd.s32 $0xFFFFC400  }
0x15a: {  	p1 =	seq.s32 s21, $0x74  }
.Ltmp48:
0x15b: {  	_ = 	snop;
	(pc) =	sbr.rel @p1 .LBB2_32-.Ltmp48, $4  }
.Ltmp49:
0x15c: {  	_ = 	snop;
	(pc) =	sbr.rel @!p1 .LBB2_31-.Ltmp49, $4  }
0x15d: {  	_ = 	snop  }
0x15e: {  	_ = 	snop  }
0x15f: {  	_ = 	snop  }
0x160: {  	_ = 	snop  }
.LBB2_22:
.Ltmp50:
0x161: {  	(pc) =	sbr.rel @p1 .LBB2_24-.Ltmp50, $4  }
.Ltmp51:
0x162: {  	(pc) =	sbr.rel @!p1 .LBB2_23-.Ltmp51, $4  }
0x163: {  	_ = 	snop  }
0x164: {  	_ = 	snop  }
0x165: {  	_ = 	snop  }
0x166: {  	_ = 	snop  }
.LBB2_36:
.Ltmp52:
0x167: {  	(pc) =	sbr.rel @p1 .LBB2_38-.Ltmp52, $4  }
0x168: {  	_ = 	snop  }
0x169: {  	_ =	swait.ge [sflag:s22], $0x3C00  }
0x16a: {  	[sflag:s22] =	ssyncset.done $0x0  }
0x16b: {  	[sflag:s22] =	ssyncadd.s32 $0xFFFFC400  }
.Ltmp53:
0x16c: {  	(pc) =	sbr.rel .LBB2_39-.Ltmp53, $2  }
0x16d: {  	_ =	sdelay $0x2  }
0x16e: {  	[tilespmem:s28], [sflag:$0x4] =	stream.linear.gather [hbm4b:s9+s4], $0x100, $0x38;
	[tilespmem:$0x1F600] =	vst v63  }
.LBB2_16:
0x16f: {  	p1 =	seq.s32 s21, $0x74  }
.Ltmp54:
0x170: {  	_ = 	snop;
	(pc) =	sbr.rel @p1 .LBB2_18-.Ltmp54, $1  }
0x171: {  	_ =	sdelay $0x3  }
.LBB2_17:
0x172: {  	_ =	swait.ge [sflag:s0], $0x100  }
0x173: {  	[sflag:s0] =	ssyncset.done $0x0  }
0x174: {  	[sflag:s0] =	ssyncadd.s32 $0xFFFFFF00  }
0x175: {  	[tilespmem:s12], [sflag:$0x8] =	stream.indirect.gather [hbm4b:s1+s30], $0x80, s25, s30, $0xb8;
	[tilespmem:$0x1F600] =	vst v63  }
.LBB2_18:
.Ltmp55:
0x176: {  	(pc) =	sbr.rel .LBB2_41-.Ltmp55, $4  }
0x177: {  	_ =	swait.ge [sflag:s13], $0x3C00  }
0x178: {  	[sflag:s13] =	ssyncset.done $0x0  }
0x179: {  	s20 =	simm.s32 $0x80;
	[sflag:s13] =	ssyncadd.s32 $0xFFFFC400  }
0x17a: {  	[spmem:s3] =	stream.indirect.scatter.add.f32 [tilespmem:s23], [sflag:$0xA], $0x80, s20, s30, $0xb8;
	[tilespmem:$0x1F600] =	vst v63  }
.LBB2_19:
0x17b: {  	p1 =	seq.s32 s21, $0x74  }
.Ltmp56:
0x17c: {  	_ = 	snop;
	(pc) =	sbr.rel @!p1 .LBB2_20-.Ltmp56, $1  }
0x17d: {  	_ =	sdelay $0x3  }
0x17e: {  	_ =	swait.ge [sflag:s18], $0x3C00  }
0x17f: {  	[sflag:s18] =	ssyncset.done $0x0  }
0x180: {  	s20 =	simm.s32 $0x180;
	[sflag:s18] =	ssyncadd.s32 $0xFFFFC400  }
0x181: {  	[spmem:s3] =	stream.indirect.scatter.add.f32 [tilespmem:s12], [sflag:$0xB], $0x80, s20, s30, $0xb8;
	[tilespmem:$0x1F600] =	vst v63  }
.LBB2_23:
0x182: {  	p1 =	sgt.u32 s21, $0x70  }
.Ltmp57:
0x183: {  	_ = 	snop;
	(pc) =	sbr.rel @p1 .LBB2_25-.Ltmp57, $4  }
0x184: {  	_ = 	snop  }
0x185: {  	_ =	swait.ge [sflag:s22], $0x3C00  }
0x186: {  	[sflag:s22] =	ssyncset.done $0x0  }
0x187: {  	[sflag:s22] =	ssyncadd.s32 $0xFFFFC400  }
.LBB2_24:
0x188: {  	[tilespmem:s4], [sflag:$0x1] =	stream.linear.gather [hbm4b:s9+s4], $0x100, $0x38;
	[tilespmem:$0x1F600] =	vst v63  }
.LBB2_26:
0x189: {  	_ =	swait.ge [sflag:s11], $0x100  }
0x18a: {  	[sflag:s11] =	ssyncset.done $0x0  }
0x18b: {  	[sflag:s11] =	ssyncadd.s32 $0xFFFFFF00  }
0x18c: {  	[tilespmem:s23], [sflag:$0x7] =	stream.indirect.gather [hbm4b:s1+s30], $0x80, s28, s30, $0xb8;
	[tilespmem:$0x1F600] =	vst v63  }
.LBB2_27:
.Ltmp58:
0x18d: {  	(pc) =	sbr.rel .LBB2_41-.Ltmp58, $4  }
0x18e: {  	_ =	swait.ge [sflag:s2], $0x3C00  }
0x18f: {  	[sflag:s2] =	ssyncset.done $0x0  }
0x190: {  	[sflag:s2] =	ssyncadd.s32 $0xFFFFC400  }
0x191: {  	[spmem:s3] =	stream.indirect.scatter.add.f32 [tilespmem:s17], [sflag:$0xC], $0x80, s6, s30, $0xb8;
	[tilespmem:$0x1F600] =	vst v63  }
.LBB2_20:
0x192: {  	_ =	swait.ge [sflag:s16], $0x100  }
0x193: {  	[sflag:s16] =	ssyncset.done $0x0  }
0x194: {  	[sflag:s16] =	ssyncadd.s32 $0xFFFFFF00  }
0x195: {  	[tilespmem:s17], [sflag:$0x9] =	stream.indirect.gather [hbm4b:s1+s30], $0x80, s26, s30, $0xb8;
	[tilespmem:$0x1F600] =	vst v63  }
.Ltmp59:
0x196: {  	_ = 	snop;
	(pc) =	sbr.rel .LBB2_41-.Ltmp59, $4  }
0x197: {  	_ =	swait.ge [sflag:s18], $0x3C00  }
0x198: {  	[sflag:s18] =	ssyncset.done $0x0  }
0x199: {  	s20 =	simm.s32 $0x180;
	[sflag:s18] =	ssyncadd.s32 $0xFFFFC400  }
0x19a: {  	[spmem:s3] =	stream.indirect.scatter.add.f32 [tilespmem:s12], [sflag:$0xB], $0x80, s20, s30, $0xb8;
	[tilespmem:$0x1F600] =	vst v63  }
.LBB2_33:
0x19b: {  	p1 =	seq.s32 s21, $0x74  }
.Ltmp60:
0x19c: {  	_ = 	snop;
	(pc) =	sbr.rel @p1 .LBB2_35-.Ltmp60, $1  }
0x19d: {  	_ =	sdelay $0x3  }
.LBB2_34:
0x19e: {  	_ =	swait.ge [sflag:s19], $0x100  }
0x19f: {  	[sflag:s19] =	ssyncset.done $0x0  }
0x1a0: {  	[sflag:s19] =	ssyncadd.s32 $0xFFFFFF00  }
0x1a1: {  	[tilespmem:s17], [sflag:$0x9] =	stream.indirect.gather [hbm4b:s1+s30], $0x80, s15, s30, $0xb8;
	[tilespmem:$0x1F600] =	vst v63  }
.LBB2_35:
.Ltmp61:
0x1a2: {  	(pc) =	sbr.rel .LBB2_41-.Ltmp61, $4  }
0x1a3: {  	_ =	swait.ge [sflag:s18], $0x3C00  }
0x1a4: {  	[sflag:s18] =	ssyncset.done $0x0  }
0x1a5: {  	s20 =	simm.s32 $0x480;
	[sflag:s18] =	ssyncadd.s32 $0xFFFFC400  }
0x1a6: {  	[spmem:s3] =	stream.indirect.scatter.add.f32 [tilespmem:s12], [sflag:$0xB], $0x80, s20, s30, $0xb8;
	[tilespmem:$0x1F600] =	vst v63  }
.LBB2_38:
0x1a7: {  	p1 =	seq.s32 s21, $0x74  }
.Ltmp62:
0x1a8: {  	_ = 	snop;
	(pc) =	sbr.rel @p1 .LBB2_40-.Ltmp62, $1  }
0x1a9: {  	_ =	sdelay $0x3  }
.LBB2_39:
0x1aa: {  	_ =	swait.ge [sflag:s29], $0x100  }
0x1ab: {  	[sflag:s29] =	ssyncset.done $0x0  }
0x1ac: {  	[sflag:s29] =	ssyncadd.s32 $0xFFFFFF00  }
0x1ad: {  	[tilespmem:s23], [sflag:$0x7] =	stream.indirect.gather [hbm4b:s1+s30], $0x80, s4, s30, $0xb8;
	[tilespmem:$0x1F600] =	vst v63  }
.LBB2_40:
.Ltmp63:
0x1ae: {  	(pc) =	sbr.rel .LBB2_41-.Ltmp63, $4  }
0x1af: {  	_ =	swait.ge [sflag:s2], $0x3C00  }
0x1b0: {  	[sflag:s2] =	ssyncset.done $0x0  }
0x1b1: {  	[sflag:s2] =	ssyncadd.s32 $0xFFFFC400  }
0x1b2: {  	[spmem:s3] =	stream.indirect.scatter.add.f32 [tilespmem:s17], [sflag:$0xC], $0x80, s5, s30, $0xb8;
	[tilespmem:$0x1F600] =	vst v63  }
.LBB2_25:
0x1b3: {  	p1 =	seq.s32 s21, $0x74  }
.Ltmp64:
0x1b4: {  	_ = 	snop;
	(pc) =	sbr.rel @p1 .LBB2_27-.Ltmp64, $4  }
.Ltmp65:
0x1b5: {  	_ = 	snop;
	(pc) =	sbr.rel @!p1 .LBB2_26-.Ltmp65, $4  }
0x1b6: {  	_ = 	snop  }
0x1b7: {  	_ = 	snop  }
0x1b8: {  	_ = 	snop  }
0x1b9: {  	_ = 	snop  }
.LBB2_42:
.Ltmp66:
0x1ba: {  	(pc) =	sbr.rel .LBB2_81-.Ltmp66, $2  }
0x1bb: {  	_ =	sdelay $0x2  }
0x1bc: {  	s9 =	simm.s32 $0xC;
	s20 =	simm.s32 $0xB  }
.LBB2_82:
0x1bd: {  	_ =	sfence.sel $0x180000  }
0x1be: {  	[bflag:$0x0] =	sbarrier.arrive $0xFFFF  }
0x1bf: {  	_ =	strace $0x90000047  }
0x1c0: {  	s0 =	stileid.u32;
	[bflag:$0x2] =	sbarrier.arrive $0xFFFF  }
0x1c1: {  	p0 =	sne.s32 s0, $0x0;
	s0 =	rddreg [dreg:$0x4]  }
0x1c2: {  	s0 =	sadd.s32 @!p0 $0x100000, s0  }
0x1c3: {  	[sflag:s0] =	ssyncadd.tile.s32 @!p0 $0x1;
	_ =	shalt  }
.Lfunc_end2:
_tile_overlayer_lowered:
.L_overlay_start_2:
0x1c4: {  	(tag) =	ssettag $0x2  }
0x1c5: {  	s0 =	rddreg [dreg:$0x0];
	s2 =	stileid.u32  }
0x1c6: {  	s1 =	rddreg [dreg:$0x1];
	p0 =	sne.s32 s2, $0x0  }
0x1c7: {  	s3 =	rddreg [dreg:$0x2];
	[bflag:$0x3] =	sbarrier.arrive $0xFFFF;
	s2 =	simm.s32 @!p0 $0x1C0D  }
0x1c8: {  	[timem:s3], [sflag:s2] =	dma.local @!p0 [hbm:s0], s1  }
0x1c9: {  	s0 =	simm.s32 @!p0 $0xD  }
0x1ca: {  	_ =	swait.ge @!p0 [sflag:s0], s1  }
0x1cb: {  	s1 =	ssub.s32 @!p0 $0x0, s1;
	[sflag:s0] =	ssyncset.done @!p0 $0x0  }
0x1cc: {  	[sflag:s0] =	ssyncadd.s32 @!p0 s1  }
0x1cd: {  	[bflag:$0x3] =	sbarrier.arrive $0xFFFF  }
0x1ce: {  	_ =	shalt  }

</sc_bundles>
